<compile_context>
chip_gen: v7x
topology: tpu7x:2x2x1
jax: 0.10.2.dev20260603
libtpu: 0.0.44.dev20260713+nightly
codegen_flags: <defaults>
</compile_context>

<pallas_src>
import functools

import jax
import jax.numpy as jnp
from jax import lax
from jax.experimental import pallas as pl
from jax.experimental.pallas import tpu as pltpu
from jax.experimental.pallas import tpu_sc as plsc

KS = 5
D = 32
NC = 2
NS = 16
L = 16
CHUNK = 512
FOLD = 128 // D


def _make_sc_kernel(n_total):
    nw = NC * NS
    per_w = n_total // nw
    n_chunks = per_w // CHUNK
    mesh = plsc.VectorSubcoreMesh(
        core_axis_name="c", subcore_axis_name="s",
        num_cores=NC, num_subcores=NS)

    @functools.partial(
        pl.kernel,
        out_type=jax.ShapeDtypeStruct((n_total // FOLD, FOLD * D), jnp.float32),
        mesh=mesh,
        compiler_params=pltpu.CompilerParams(use_tc_tiling_on_sc=False),
        scratch_types=[
            [pltpu.VMEM((CHUNK,), jnp.int32) for _ in range(KS)],
            pltpu.VMEM((KS, CHUNK, D), jnp.float32),
            pltpu.VMEM((CHUNK // FOLD, FOLD * D), jnp.float32),
            pltpu.VMEM((KS * L,), jnp.float32),
            pltpu.SemaphoreType.DMA,
        ],
    )
    def sc_kernel(params_hbm, tflat_hbm, wexp_hbm, out_hbm,
                  idx_refs, rows_ref, pack_ref, w_ref, sem):
        wid = lax.axis_index("s") * NC + lax.axis_index("c")
        base = wid * per_w

        pltpu.sync_copy(wexp_hbm, w_ref)
        wvecs = [w_ref[pl.ds(k * L, L)] for k in range(KS)]

        def chunk_body(c, _):
            off = base + c * CHUNK
            pltpu.sync_copy(tflat_hbm.at[pl.ds(off, CHUNK)], idx_refs[0])
            for i in range(CHUNK // L):
                v = idx_refs[0][pl.ds(i * L, L)]
                for k in range(1, KS):
                    idx_refs[k][pl.ds(i * L, L)] = v + k
            copies = [
                pltpu.async_copy(params_hbm.at[idx_refs[k]],
                                 rows_ref.at[k], sem)
                for k in range(KS)
            ]
            for cp in copies:
                cp.wait()

            @plsc.parallel_loop(0, CHUNK // FOLD, 1, unroll=2)
            def _combine(q):
                for j in range(FOLD):
                    r = q * FOLD + j
                    for h in (0, L):
                        acc = rows_ref[0, r, pl.ds(h, L)] * wvecs[0]
                        for k in range(1, KS):
                            acc = acc + rows_ref[k, r, pl.ds(h, L)] * wvecs[k]
                        pack_ref[q, pl.ds(j * D + h, L)] = acc

            pltpu.sync_copy(
                pack_ref, out_hbm.at[pl.ds(off // FOLD, CHUNK // FOLD)])
            return 0

        lax.fori_loop(0, n_chunks, chunk_body, 0)

    return sc_kernel


def kernel(params, weights, t):
    b, l = t.shape
    n_total = b * l
    tflat = t.reshape(n_total)
    wexp = jnp.repeat(weights, L)
    out = _make_sc_kernel(n_total)(params, tflat, wexp)
    return out.reshape(b, l, D)

# --- scband reference (transcript-rebuilt; emitter-appended) ---
"""Pipeline reference for scband-weighted-embedding-91276644974724 (READ-ONLY COPY).

The authoritative reference and input builder live on the scoring server;
editing this copy changes nothing except your own understanding.
"""

import jax, jax.numpy as jnp
import numpy as np

KERNEL_SIZE = 5
SIGMA = 1.0
NUM_EMBEDDINGS = 1000000
DIM = 32
BATCH = 16384
HIST = 50


def _gaussian_weights(kernel_size, sigma):
    # Replicates scipy.ndimage.gaussian_filter1d applied to a delta at kernel_size//2
    # scipy default: truncate=4.0, mode='reflect' (== np.pad mode 'symmetric')
    radius = int(4.0 * sigma + 0.5)
    x = np.arange(-radius, radius + 1, dtype=np.float64)
    phi = np.exp(-0.5 * (x / sigma) ** 2)
    phi = phi / phi.sum()
    delta = np.zeros(kernel_size, dtype=np.float64)
    delta[kernel_size // 2] = 1.0
    padded = np.pad(delta, radius, mode='symmetric')
    out = np.array([np.dot(padded[i:i + 2 * radius + 1], phi) for i in range(kernel_size)])
    return out.astype(np.float32)


def setup_inputs(seed: int = 0) -> dict:
    key = jax.random.key(seed)
    k1, k2 = jax.random.split(key)
    t = jax.random.randint(k1, (BATCH, HIST), 0, NUM_EMBEDDINGS, dtype=jnp.int32)
    params = jax.random.normal(k2, (NUM_EMBEDDINGS + KERNEL_SIZE, DIM), dtype=jnp.float32)
    weights = jnp.asarray(_gaussian_weights(KERNEL_SIZE, SIGMA))
    return {"params": params, "weights": weights, "t": t}


def reference(params, weights, t):
    # t: int32[B, L] -> idx: int32[B, L, K]
    kernel_index = jnp.arange(KERNEL_SIZE, dtype=t.dtype)
    idx = t[..., None] + kernel_index
    # gather: [B, L, K, D]
    p = jnp.take(params, idx, axis=0)
    # weighted sum over the kernel axis: einsum('K,...Kd->...d')
    out = jnp.einsum('K,...Kd->...d', weights, p)
    return out

if __name__ == "__main__":
    import jax
    _d = setup_inputs()
    print(jax.jit(kernel)(*tuple(_d.values())))

</pallas_src>

<mosaic_0001>
#map = affine_map<(d0, d1) -> (0, 0)>
#map1 = affine_map<(d0, d1) -> (0)>
module attributes {stable_mosaic.version = 14 : i64} {
  func.func @sc_kernel(%arg0: i32, %arg1: i32, %arg2: memref<1000005x32xf32, #tpu.memory_space<hbm>>, %arg3: memref<819200xi32, #tpu.memory_space<hbm>>, %arg4: memref<80xf32, #tpu.memory_space<hbm>>, %arg5: memref<204800x128xf32, #tpu.memory_space<hbm>>, %arg6: memref<512xi32, #tpu.memory_space<vmem>>, %arg7: memref<512xi32, #tpu.memory_space<vmem>>, %arg8: memref<512xi32, #tpu.memory_space<vmem>>, %arg9: memref<512xi32, #tpu.memory_space<vmem>>, %arg10: memref<512xi32, #tpu.memory_space<vmem>>, %arg11: memref<5x512x32xf32, #tpu.memory_space<vmem>>, %arg12: memref<128x128xf32, #tpu.memory_space<vmem>>, %arg13: memref<80xf32, #tpu.memory_space<vmem>>, %arg14: memref<!tpu.dma_semaphore, #tpu.memory_space<semaphore_mem>>) attributes {dimension_semantics = [#tpu.dimension_semantics<core_parallel>, #tpu.dimension_semantics<subcore_parallel>], iteration_bounds = array<i64: 2, 16>, scalar_prefetch = 0 : i64, scratch_operands = 9 : i64, tpu.core_type = #tpu.core_type<sc_vector_subcore>, window_params = [{transform_indices = #map}, {transform_indices = #map1}, {transform_indices = #map1}, {transform_indices = #map}]} {
    %mul3A = arith.constant 2 : i32
    %mul3A_0 = arith.muli %arg1, %mul3A : i32
    %add3A = arith.addi %mul3A_0, %arg0 : i32
    %mul3A_1 = arith.constant 25600 : i32
    %mul3A_2 = arith.muli %add3A, %mul3A_1 : i32
    "tpu.region"() ({
      %run_scoped3A = tpu.sem_alloc : memref<!tpu.dma_semaphore, #tpu.memory_space<semaphore_mem>>
      tpu.enqueue_dma source(%arg4 : memref<80xf32, #tpu.memory_space<hbm>>) target(%arg13 : memref<80xf32, #tpu.memory_space<vmem>>) target_semaphore(%run_scoped3A : memref<!tpu.dma_semaphore, #tpu.memory_space<semaphore_mem>>)
      tpu.wait_dma2 semaphore(%run_scoped3A : memref<!tpu.dma_semaphore, #tpu.memory_space<semaphore_mem>>) src(%arg4 : memref<80xf32, #tpu.memory_space<hbm>>) dst(%arg13 : memref<80xf32, #tpu.memory_space<vmem>>)
      tpu.yield
    }) : () -> ()
    %get3A = arith.constant 0 : index
    %get3A_3 = tpu.vector_load %arg13[%get3A] {strides = array<i32>} : memref<80xf32, #tpu.memory_space<vmem>>, vector<16xf32>,
    %get3A_4 = vector.shape_cast %get3A_3 : vector<16xf32> to vector<16xf32>
    %get3A_5 = arith.constant 16 : index
    %get3A_6 = tpu.vector_load %arg13[%get3A_5] {strides = array<i32>} : memref<80xf32, #tpu.memory_space<vmem>>, vector<16xf32>,
    %get3A_7 = vector.shape_cast %get3A_6 : vector<16xf32> to vector<16xf32>
    %get3A_8 = arith.constant 32 : index
    %get3A_9 = tpu.vector_load %arg13[%get3A_8] {strides = array<i32>} : memref<80xf32, #tpu.memory_space<vmem>>, vector<16xf32>,
    %get3A_10 = vector.shape_cast %get3A_9 : vector<16xf32> to vector<16xf32>
    %get3A_11 = arith.constant 48 : index
    %get3A_12 = tpu.vector_load %arg13[%get3A_11] {strides = array<i32>} : memref<80xf32, #tpu.memory_space<vmem>>, vector<16xf32>,
    %get3A_13 = vector.shape_cast %get3A_12 : vector<16xf32> to vector<16xf32>
    %get3A_14 = arith.constant 64 : index
    %get3A_15 = tpu.vector_load %arg13[%get3A_14] {strides = array<i32>} : memref<80xf32, #tpu.memory_space<vmem>>, vector<16xf32>,
    %get3A_16 = vector.shape_cast %get3A_15 : vector<16xf32> to vector<16xf32>
    %scan3A = arith.constant 0 : i32
    %scan3A_17 = arith.constant 0 : i32
    %scan3A_18 = arith.constant 50 : i32
    %scan3A_19 = arith.addi %scan3A_17, %scan3A_18 : i32
    %scan3A_20 = arith.constant 1 : i32
    %scan3A_21 = scf.for %scan3A_23 = %scan3A_17 to %scan3A_19 step %scan3A_20 iter_args(%scan3A_24 = %scan3A) -> (i32)  : i32 {
      %mul3A_25 = arith.constant 512 : i32
      %mul3A_26 = arith.muli %scan3A_23, %mul3A_25 : i32
      %add3A_27 = arith.addi %mul3A_2, %mul3A_26 : i32
      "tpu.region"() ({
        %run_scoped3A = tpu.sem_alloc : memref<!tpu.dma_semaphore, #tpu.memory_space<semaphore_mem>>
        %dma_start3A_1116 = tpu.memref_slice %arg3[%add3A_27] : memref<819200xi32, #tpu.memory_space<hbm>> -> memref<512xi32, #tpu.memory_space<hbm>>
        %dma_start3A_1117 = tpu.memref_slice %arg3[%add3A_27] : memref<819200xi32, #tpu.memory_space<hbm>> -> memref<512xi32, #tpu.memory_space<hbm>>
        tpu.enqueue_dma source(%dma_start3A_1117 : memref<512xi32, #tpu.memory_space<hbm>>) target(%arg6 : memref<512xi32, #tpu.memory_space<vmem>>) target_semaphore(%run_scoped3A : memref<!tpu.dma_semaphore, #tpu.memory_space<semaphore_mem>>)
        %dma_wait3A_1118 = tpu.memref_slice %arg3[%add3A_27] : memref<819200xi32, #tpu.memory_space<hbm>> -> memref<512xi32, #tpu.memory_space<hbm>>
        %dma_wait3A_1119 = tpu.memref_slice %arg3[%add3A_27] : memref<819200xi32, #tpu.memory_space<hbm>> -> memref<512xi32, #tpu.memory_space<hbm>>
        tpu.wait_dma2 semaphore(%run_scoped3A : memref<!tpu.dma_semaphore, #tpu.memory_space<semaphore_mem>>) src(%dma_wait3A_1119 : memref<512xi32, #tpu.memory_space<hbm>>) dst(%arg6 : memref<512xi32, #tpu.memory_space<vmem>>)
        tpu.yield
      }) : () -> ()
      %get3A_28 = arith.constant 0 : index
      %get3A_29 = tpu.vector_load %arg6[%get3A_28] {strides = array<i32>} : memref<512xi32, #tpu.memory_space<vmem>>, vector<16xi32>,
      %get3A_30 = vector.shape_cast %get3A_29 : vector<16xi32> to vector<16xi32>
      %add3A_31 = arith.constant 1 : i32
      %add3A_32 = vector.broadcast %add3A_31 : i32 to vector<16xi32>
      %add3A_33 = arith.addi %get3A_30, %add3A_32 : vector<16xi32>
      %swap3A = arith.constant 0 : index
      %swap3A_34 = tpu.vector_load %arg7[%swap3A] {strides = array<i32>} : memref<512xi32, #tpu.memory_space<vmem>>, vector<16xi32>,
      %swap3A_35 = vector.shape_cast %swap3A_34 : vector<16xi32> to vector<16xi32>
      %swap3A_36 = vector.shape_cast %add3A_33 : vector<16xi32> to vector<16xi32>
      tpu.vector_store %arg7[%swap3A], %swap3A_36 {strides = array<i32>} : memref<512xi32, #tpu.memory_space<vmem>>, vector<16xi32>,
      %add3A_37 = arith.constant 2 : i32
      %add3A_38 = vector.broadcast %add3A_37 : i32 to vector<16xi32>
      %add3A_39 = arith.addi %get3A_30, %add3A_38 : vector<16xi32>
      %swap3A_40 = arith.constant 0 : index
      %swap3A_41 = tpu.vector_load %arg8[%swap3A_40] {strides = array<i32>} : memref<512xi32, #tpu.memory_space<vmem>>, vector<16xi32>,
      %swap3A_42 = vector.shape_cast %swap3A_41 : vector<16xi32> to vector<16xi32>
      %swap3A_43 = vector.shape_cast %add3A_39 : vector<16xi32> to vector<16xi32>
      tpu.vector_store %arg8[%swap3A_40], %swap3A_43 {strides = array<i32>} : memref<512xi32, #tpu.memory_space<vmem>>, vector<16xi32>,
      %add3A_44 = arith.constant 3 : i32
      %add3A_45 = vector.broadcast %add3A_44 : i32 to vector<16xi32>
      %add3A_46 = arith.addi %get3A_30, %add3A_45 : vector<16xi32>
      %swap3A_47 = arith.constant 0 : index
      %swap3A_48 = tpu.vector_load %arg9[%swap3A_47] {strides = array<i32>} : memref<512xi32, #tpu.memory_space<vmem>>, vector<16xi32>,
      %swap3A_49 = vector.shape_cast %swap3A_48 : vector<16xi32> to vector<16xi32>
      %swap3A_50 = vector.shape_cast %add3A_46 : vector<16xi32> to vector<16xi32>
      tpu.vector_store %arg9[%swap3A_47], %swap3A_50 {strides = array<i32>} : memref<512xi32, #tpu.memory_space<vmem>>, vector<16xi32>,
      %add3A_51 = arith.constant 4 : i32
      %add3A_52 = vector.broadcast %add3A_51 : i32 to vector<16xi32>
      %add3A_53 = arith.addi %get3A_30, %add3A_52 : vector<16xi32>
      %swap3A_54 = arith.constant 0 : index
      %swap3A_55 = tpu.vector_load %arg10[%swap3A_54] {strides = array<i32>} : memref<512xi32, #tpu.memory_space<vmem>>, vector<16xi32>,
      %swap3A_56 = vector.shape_cast %swap3A_55 : vector<16xi32> to vector<16xi32>
      %swap3A_57 = vector.shape_cast %add3A_53 : vector<16xi32> to vector<16xi32>
      tpu.vector_store %arg10[%swap3A_54], %swap3A_57 {strides = array<i32>} : memref<512xi32, #tpu.memory_space<vmem>>, vector<16xi32>,
      %get3A_58 = arith.constant 16 : index
      %get3A_59 = tpu.vector_load %arg6[%get3A_58] {strides = array<i32>} : memref<512xi32, #tpu.memory_space<vmem>>, vector<16xi32>,
      %get3A_60 = vector.shape_cast %get3A_59 : vector<16xi32> to vector<16xi32>
      %add3A_61 = arith.constant 1 : i32
      %add3A_62 = vector.broadcast %add3A_61 : i32 to vector<16xi32>
      %add3A_63 = arith.addi %get3A_60, %add3A_62 : vector<16xi32>
      %swap3A_64 = arith.constant 16 : index
      %swap3A_65 = tpu.vector_load %arg7[%swap3A_64] {strides = array<i32>} : memref<512xi32, #tpu.memory_space<vmem>>, vector<16xi32>,
      %swap3A_66 = vector.shape_cast %swap3A_65 : vector<16xi32> to vector<16xi32>
      %swap3A_67 = vector.shape_cast %add3A_63 : vector<16xi32> to vector<16xi32>
      tpu.vector_store %arg7[%swap3A_64], %swap3A_67 {strides = array<i32>} : memref<512xi32, #tpu.memory_space<vmem>>, vector<16xi32>,
      %add3A_68 = arith.constant 2 : i32
      %add3A_69 = vector.broadcast %add3A_68 : i32 to vector<16xi32>
      %add3A_70 = arith.addi %get3A_60, %add3A_69 : vector<16xi32>
      %swap3A_71 = arith.constant 16 : index
      %swap3A_72 = tpu.vector_load %arg8[%swap3A_71] {strides = array<i32>} : memref<512xi32, #tpu.memory_space<vmem>>, vector<16xi32>,
      %swap3A_73 = vector.shape_cast %swap3A_72 : vector<16xi32> to vector<16xi32>
      %swap3A_74 = vector.shape_cast %add3A_70 : vector<16xi32> to vector<16xi32>
      tpu.vector_store %arg8[%swap3A_71], %swap3A_74 {strides = array<i32>} : memref<512xi32, #tpu.memory_space<vmem>>, vector<16xi32>,
      %add3A_75 = arith.constant 3 : i32
      %add3A_76 = vector.broadcast %add3A_75 : i32 to vector<16xi32>
      %add3A_77 = arith.addi %get3A_60, %add3A_76 : vector<16xi32>
      %swap3A_78 = arith.constant 16 : index
      %swap3A_79 = tpu.vector_load %arg9[%swap3A_78] {strides = array<i32>} : memref<512xi32, #tpu.memory_space<vmem>>, vector<16xi32>,
      %swap3A_80 = vector.shape_cast %swap3A_79 : vector<16xi32> to vector<16xi32>
      %swap3A_81 = vector.shape_cast %add3A_77 : vector<16xi32> to vector<16xi32>
      tpu.vector_store %arg9[%swap3A_78], %swap3A_81 {strides = array<i32>} : memref<512xi32, #tpu.memory_space<vmem>>, vector<16xi32>,
      %add3A_82 = arith.constant 4 : i32
      %add3A_83 = vector.broadcast %add3A_82 : i32 to vector<16xi32>
      %add3A_84 = arith.addi %get3A_60, %add3A_83 : vector<16xi32>
      %swap3A_85 = arith.constant 16 : index
      %swap3A_86 = tpu.vector_load %arg10[%swap3A_85] {strides = array<i32>} : memref<512xi32, #tpu.memory_space<vmem>>, vector<16xi32>,
      %swap3A_87 = vector.shape_cast %swap3A_86 : vector<16xi32> to vector<16xi32>
      %swap3A_88 = vector.shape_cast %add3A_84 : vector<16xi32> to vector<16xi32>
      tpu.vector_store %arg10[%swap3A_85], %swap3A_88 {strides = array<i32>} : memref<512xi32, #tpu.memory_space<vmem>>, vector<16xi32>,
      %get3A_89 = arith.constant 32 : index
      %get3A_90 = tpu.vector_load %arg6[%get3A_89] {strides = array<i32>} : memref<512xi32, #tpu.memory_space<vmem>>, vector<16xi32>,
      %get3A_91 = vector.shape_cast %get3A_90 : vector<16xi32> to vector<16xi32>
      %add3A_92 = arith.constant 1 : i32
      %add3A_93 = vector.broadcast %add3A_92 : i32 to vector<16xi32>
      %add3A_94 = arith.addi %get3A_91, %add3A_93 : vector<16xi32>
      %swap3A_95 = arith.constant 32 : index
      %swap3A_96 = tpu.vector_load %arg7[%swap3A_95] {strides = array<i32>} : memref<512xi32, #tpu.memory_space<vmem>>, vector<16xi32>,
      %swap3A_97 = vector.shape_cast %swap3A_96 : vector<16xi32> to vector<16xi32>
      %swap3A_98 = vector.shape_cast %add3A_94 : vector<16xi32> to vector<16xi32>
      tpu.vector_store %arg7[%swap3A_95], %swap3A_98 {strides = array<i32>} : memref<512xi32, #tpu.memory_space<vmem>>, vector<16xi32>,
      %add3A_99 = arith.constant 2 : i32
      %add3A_100 = vector.broadcast %add3A_99 : i32 to vector<16xi32>
      %add3A_101 = arith.addi %get3A_91, %add3A_100 : vector<16xi32>
      %swap3A_102 = arith.constant 32 : index
      %swap3A_103 = tpu.vector_load %arg8[%swap3A_102] {strides = array<i32>} : memref<512xi32, #tpu.memory_space<vmem>>, vector<16xi32>,
      %swap3A_104 = vector.shape_cast %swap3A_103 : vector<16xi32> to vector<16xi32>
      %swap3A_105 = vector.shape_cast %add3A_101 : vector<16xi32> to vector<16xi32>
      tpu.vector_store %arg8[%swap3A_102], %swap3A_105 {strides = array<i32>} : memref<512xi32, #tpu.memory_space<vmem>>, vector<16xi32>,
      %add3A_106 = arith.constant 3 : i32
      %add3A_107 = vector.broadcast %add3A_106 : i32 to vector<16xi32>
      %add3A_108 = arith.addi %get3A_91, %add3A_107 : vector<16xi32>
      %swap3A_109 = arith.constant 32 : index
      %swap3A_110 = tpu.vector_load %arg9[%swap3A_109] {strides = array<i32>} : memref<512xi32, #tpu.memory_space<vmem>>, vector<16xi32>,
      %swap3A_111 = vector.shape_cast %swap3A_110 : vector<16xi32> to vector<16xi32>
      %swap3A_112 = vector.shape_cast %add3A_108 : vector<16xi32> to vector<16xi32>
      tpu.vector_store %arg9[%swap3A_109], %swap3A_112 {strides = array<i32>} : memref<512xi32, #tpu.memory_space<vmem>>, vector<16xi32>,
      %add3A_113 = arith.constant 4 : i32
      %add3A_114 = vector.broadcast %add3A_113 : i32 to vector<16xi32>
      %add3A_115 = arith.addi %get3A_91, %add3A_114 : vector<16xi32>
      %swap3A_116 = arith.constant 32 : index
      %swap3A_117 = tpu.vector_load %arg10[%swap3A_116] {strides = array<i32>} : memref<512xi32, #tpu.memory_space<vmem>>, vector<16xi32>,
      %swap3A_118 = vector.shape_cast %swap3A_117 : vector<16xi32> to vector<16xi32>
      %swap3A_119 = vector.shape_cast %add3A_115 : vector<16xi32> to vector<16xi32>
      tpu.vector_store %arg10[%swap3A_116], %swap3A_119 {strides = array<i32>} : memref<512xi32, #tpu.memory_space<vmem>>, vector<16xi32>,
      %get3A_120 = arith.constant 48 : index
      %get3A_121 = tpu.vector_load %arg6[%get3A_120] {strides = array<i32>} : memref<512xi32, #tpu.memory_space<vmem>>, vector<16xi32>,
      %get3A_122 = vector.shape_cast %get3A_121 : vector<16xi32> to vector<16xi32>
      %add3A_123 = arith.constant 1 : i32
      %add3A_124 = vector.broadcast %add3A_123 : i32 to vector<16xi32>
      %add3A_125 = arith.addi %get3A_122, %add3A_124 : vector<16xi32>
      %swap3A_126 = arith.constant 48 : index
      %swap3A_127 = tpu.vector_load %arg7[%swap3A_126] {strides = array<i32>} : memref<512xi32, #tpu.memory_space<vmem>>, vector<16xi32>,
      %swap3A_128 = vector.shape_cast %swap3A_127 : vector<16xi32> to vector<16xi32>
      %swap3A_129 = vector.shape_cast %add3A_125 : vector<16xi32> to vector<16xi32>
      tpu.vector_store %arg7[%swap3A_126], %swap3A_129 {strides = array<i32>} : memref<512xi32, #tpu.memory_space<vmem>>, vector<16xi32>,
      %add3A_130 = arith.constant 2 : i32
      %add3A_131 = vector.broadcast %add3A_130 : i32 to vector<16xi32>
      %add3A_132 = arith.addi %get3A_122, %add3A_131 : vector<16xi32>
      %swap3A_133 = arith.constant 48 : index
      %swap3A_134 = tpu.vector_load %arg8[%swap3A_133] {strides = array<i32>} : memref<512xi32, #tpu.memory_space<vmem>>, vector<16xi32>,
      %swap3A_135 = vector.shape_cast %swap3A_134 : vector<16xi32> to vector<16xi32>
      %swap3A_136 = vector.shape_cast %add3A_132 : vector<16xi32> to vector<16xi32>
      tpu.vector_store %arg8[%swap3A_133], %swap3A_136 {strides = array<i32>} : memref<512xi32, #tpu.memory_space<vmem>>, vector<16xi32>,
      %add3A_137 = arith.constant 3 : i32
      %add3A_138 = vector.broadcast %add3A_137 : i32 to vector<16xi32>
      %add3A_139 = arith.addi %get3A_122, %add3A_138 : vector<16xi32>
      %swap3A_140 = arith.constant 48 : index
      %swap3A_141 = tpu.vector_load %arg9[%swap3A_140] {strides = array<i32>} : memref<512xi32, #tpu.memory_space<vmem>>, vector<16xi32>,
      %swap3A_142 = vector.shape_cast %swap3A_141 : vector<16xi32> to vector<16xi32>
      %swap3A_143 = vector.shape_cast %add3A_139 : vector<16xi32> to vector<16xi32>
      tpu.vector_store %arg9[%swap3A_140], %swap3A_143 {strides = array<i32>} : memref<512xi32, #tpu.memory_space<vmem>>, vector<16xi32>,
      %add3A_144 = arith.constant 4 : i32
      %add3A_145 = vector.broadcast %add3A_144 : i32 to vector<16xi32>
      %add3A_146 = arith.addi %get3A_122, %add3A_145 : vector<16xi32>
      %swap3A_147 = arith.constant 48 : index
      %swap3A_148 = tpu.vector_load %arg10[%swap3A_147] {strides = array<i32>} : memref<512xi32, #tpu.memory_space<vmem>>, vector<16xi32>,
      %swap3A_149 = vector.shape_cast %swap3A_148 : vector<16xi32> to vector<16xi32>
      %swap3A_150 = vector.shape_cast %add3A_146 : vector<16xi32> to vector<16xi32>
      tpu.vector_store %arg10[%swap3A_147], %swap3A_150 {strides = array<i32>} : memref<512xi32, #tpu.memory_space<vmem>>, vector<16xi32>,
      %get3A_151 = arith.constant 64 : index
      %get3A_152 = tpu.vector_load %arg6[%get3A_151] {strides = array<i32>} : memref<512xi32, #tpu.memory_space<vmem>>, vector<16xi32>,
      %get3A_153 = vector.shape_cast %get3A_152 : vector<16xi32> to vector<16xi32>
      %add3A_154 = arith.constant 1 : i32
      %add3A_155 = vector.broadcast %add3A_154 : i32 to vector<16xi32>
      %add3A_156 = arith.addi %get3A_153, %add3A_155 : vector<16xi32>
      %swap3A_157 = arith.constant 64 : index
      %swap3A_158 = tpu.vector_load %arg7[%swap3A_157] {strides = array<i32>} : memref<512xi32, #tpu.memory_space<vmem>>, vector<16xi32>,
      %swap3A_159 = vector.shape_cast %swap3A_158 : vector<16xi32> to vector<16xi32>
      %swap3A_160 = vector.shape_cast %add3A_156 : vector<16xi32> to vector<16xi32>
      tpu.vector_store %arg7[%swap3A_157], %swap3A_160 {strides = array<i32>} : memref<512xi32, #tpu.memory_space<vmem>>, vector<16xi32>,
      %add3A_161 = arith.constant 2 : i32
      %add3A_162 = vector.broadcast %add3A_161 : i32 to vector<16xi32>
      %add3A_163 = arith.addi %get3A_153, %add3A_162 : vector<16xi32>
      %swap3A_164 = arith.constant 64 : index
      %swap3A_165 = tpu.vector_load %arg8[%swap3A_164] {strides = array<i32>} : memref<512xi32, #tpu.memory_space<vmem>>, vector<16xi32>,
      %swap3A_166 = vector.shape_cast %swap3A_165 : vector<16xi32> to vector<16xi32>
      %swap3A_167 = vector.shape_cast %add3A_163 : vector<16xi32> to vector<16xi32>
      tpu.vector_store %arg8[%swap3A_164], %swap3A_167 {strides = array<i32>} : memref<512xi32, #tpu.memory_space<vmem>>, vector<16xi32>,
      %add3A_168 = arith.constant 3 : i32
      %add3A_169 = vector.broadcast %add3A_168 : i32 to vector<16xi32>
      %add3A_170 = arith.addi %get3A_153, %add3A_169 : vector<16xi32>
      %swap3A_171 = arith.constant 64 : index
      %swap3A_172 = tpu.vector_load %arg9[%swap3A_171] {strides = array<i32>} : memref<512xi32, #tpu.memory_space<vmem>>, vector<16xi32>,
      %swap3A_173 = vector.shape_cast %swap3A_172 : vector<16xi32> to vector<16xi32>
      %swap3A_174 = vector.shape_cast %add3A_170 : vector<16xi32> to vector<16xi32>
      tpu.vector_store %arg9[%swap3A_171], %swap3A_174 {strides = array<i32>} : memref<512xi32, #tpu.memory_space<vmem>>, vector<16xi32>,
      %add3A_175 = arith.constant 4 : i32
      %add3A_176 = vector.broadcast %add3A_175 : i32 to vector<16xi32>
      %add3A_177 = arith.addi %get3A_153, %add3A_176 : vector<16xi32>
      %swap3A_178 = arith.constant 64 : index
      %swap3A_179 = tpu.vector_load %arg10[%swap3A_178] {strides = array<i32>} : memref<512xi32, #tpu.memory_space<vmem>>, vector<16xi32>,
      %swap3A_180 = vector.shape_cast %swap3A_179 : vector<16xi32> to vector<16xi32>
      %swap3A_181 = vector.shape_cast %add3A_177 : vector<16xi32> to vector<16xi32>
      tpu.vector_store %arg10[%swap3A_178], %swap3A_181 {strides = array<i32>} : memref<512xi32, #tpu.memory_space<vmem>>, vector<16xi32>,
      %get3A_182 = arith.constant 80 : index
      %get3A_183 = tpu.vector_load %arg6[%get3A_182] {strides = array<i32>} : memref<512xi32, #tpu.memory_space<vmem>>, vector<16xi32>,
      %get3A_184 = vector.shape_cast %get3A_183 : vector<16xi32> to vector<16xi32>
      %add3A_185 = arith.constant 1 : i32
      %add3A_186 = vector.broadcast %add3A_185 : i32 to vector<16xi32>
      %add3A_187 = arith.addi %get3A_184, %add3A_186 : vector<16xi32>
      %swap3A_188 = arith.constant 80 : index
      %swap3A_189 = tpu.vector_load %arg7[%swap3A_188] {strides = array<i32>} : memref<512xi32, #tpu.memory_space<vmem>>, vector<16xi32>,
      %swap3A_190 = vector.shape_cast %swap3A_189 : vector<16xi32> to vector<16xi32>
      %swap3A_191 = vector.shape_cast %add3A_187 : vector<16xi32> to vector<16xi32>
      tpu.vector_store %arg7[%swap3A_188], %swap3A_191 {strides = array<i32>} : memref<512xi32, #tpu.memory_space<vmem>>, vector<16xi32>,
      %add3A_192 = arith.constant 2 : i32
      %add3A_193 = vector.broadcast %add3A_192 : i32 to vector<16xi32>
      %add3A_194 = arith.addi %get3A_184, %add3A_193 : vector<16xi32>
      %swap3A_195 = arith.constant 80 : index
      %swap3A_196 = tpu.vector_load %arg8[%swap3A_195] {strides = array<i32>} : memref<512xi32, #tpu.memory_space<vmem>>, vector<16xi32>,
      %swap3A_197 = vector.shape_cast %swap3A_196 : vector<16xi32> to vector<16xi32>
      %swap3A_198 = vector.shape_cast %add3A_194 : vector<16xi32> to vector<16xi32>
      tpu.vector_store %arg8[%swap3A_195], %swap3A_198 {strides = array<i32>} : memref<512xi32, #tpu.memory_space<vmem>>, vector<16xi32>,
      %add3A_199 = arith.constant 3 : i32
      %add3A_200 = vector.broadcast %add3A_199 : i32 to vector<16xi32>
      %add3A_201 = arith.addi %get3A_184, %add3A_200 : vector<16xi32>
      %swap3A_202 = arith.constant 80 : index
      %swap3A_203 = tpu.vector_load %arg9[%swap3A_202] {strides = array<i32>} : memref<512xi32, #tpu.memory_space<vmem>>, vector<16xi32>,
      %swap3A_204 = vector.shape_cast %swap3A_203 : vector<16xi32> to vector<16xi32>
      %swap3A_205 = vector.shape_cast %add3A_201 : vector<16xi32> to vector<16xi32>
      tpu.vector_store %arg9[%swap3A_202], %swap3A_205 {strides = array<i32>} : memref<512xi32, #tpu.memory_space<vmem>>, vector<16xi32>,
      %add3A_206 = arith.constant 4 : i32
      %add3A_207 = vector.broadcast %add3A_206 : i32 to vector<16xi32>
      %add3A_208 = arith.addi %get3A_184, %add3A_207 : vector<16xi32>
      %swap3A_209 = arith.constant 80 : index
      %swap3A_210 = tpu.vector_load %arg10[%swap3A_209] {strides = array<i32>} : memref<512xi32, #tpu.memory_space<vmem>>, vector<16xi32>,
      %swap3A_211 = vector.shape_cast %swap3A_210 : vector<16xi32> to vector<16xi32>
      %swap3A_212 = vector.shape_cast %add3A_208 : vector<16xi32> to vector<16xi32>
      tpu.vector_store %arg10[%swap3A_209], %swap3A_212 {strides = array<i32>} : memref<512xi32, #tpu.memory_space<vmem>>, vector<16xi32>,
      %get3A_213 = arith.constant 96 : index
      %get3A_214 = tpu.vector_load %arg6[%get3A_213] {strides = array<i32>} : memref<512xi32, #tpu.memory_space<vmem>>, vector<16xi32>,
      %get3A_215 = vector.shape_cast %get3A_214 : vector<16xi32> to vector<16xi32>
      %add3A_216 = arith.constant 1 : i32
      %add3A_217 = vector.broadcast %add3A_216 : i32 to vector<16xi32>
      %add3A_218 = arith.addi %get3A_215, %add3A_217 : vector<16xi32>
      %swap3A_219 = arith.constant 96 : index
      %swap3A_220 = tpu.vector_load %arg7[%swap3A_219] {strides = array<i32>} : memref<512xi32, #tpu.memory_space<vmem>>, vector<16xi32>,
      %swap3A_221 = vector.shape_cast %swap3A_220 : vector<16xi32> to vector<16xi32>
      %swap3A_222 = vector.shape_cast %add3A_218 : vector<16xi32> to vector<16xi32>
      tpu.vector_store %arg7[%swap3A_219], %swap3A_222 {strides = array<i32>} : memref<512xi32, #tpu.memory_space<vmem>>, vector<16xi32>,
      %add3A_223 = arith.constant 2 : i32
      %add3A_224 = vector.broadcast %add3A_223 : i32 to vector<16xi32>
      %add3A_225 = arith.addi %get3A_215, %add3A_224 : vector<16xi32>
      %swap3A_226 = arith.constant 96 : index
      %swap3A_227 = tpu.vector_load %arg8[%swap3A_226] {strides = array<i32>} : memref<512xi32, #tpu.memory_space<vmem>>, vector<16xi32>,
      %swap3A_228 = vector.shape_cast %swap3A_227 : vector<16xi32> to vector<16xi32>
      %swap3A_229 = vector.shape_cast %add3A_225 : vector<16xi32> to vector<16xi32>
      tpu.vector_store %arg8[%swap3A_226], %swap3A_229 {strides = array<i32>} : memref<512xi32, #tpu.memory_space<vmem>>, vector<16xi32>,
      %add3A_230 = arith.constant 3 : i32
      %add3A_231 = vector.broadcast %add3A_230 : i32 to vector<16xi32>
      %add3A_232 = arith.addi %get3A_215, %add3A_231 : vector<16xi32>
      %swap3A_233 = arith.constant 96 : index
      %swap3A_234 = tpu.vector_load %arg9[%swap3A_233] {strides = array<i32>} : memref<512xi32, #tpu.memory_space<vmem>>, vector<16xi32>,
      %swap3A_235 = vector.shape_cast %swap3A_234 : vector<16xi32> to vector<16xi32>
      %swap3A_236 = vector.shape_cast %add3A_232 : vector<16xi32> to vector<16xi32>
      tpu.vector_store %arg9[%swap3A_233], %swap3A_236 {strides = array<i32>} : memref<512xi32, #tpu.memory_space<vmem>>, vector<16xi32>,
      %add3A_237 = arith.constant 4 : i32
      %add3A_238 = vector.broadcast %add3A_237 : i32 to vector<16xi32>
      %add3A_239 = arith.addi %get3A_215, %add3A_238 : vector<16xi32>
      %swap3A_240 = arith.constant 96 : index
      %swap3A_241 = tpu.vector_load %arg10[%swap3A_240] {strides = array<i32>} : memref<512xi32, #tpu.memory_space<vmem>>, vector<16xi32>,
      %swap3A_242 = vector.shape_cast %swap3A_241 : vector<16xi32> to vector<16xi32>
      %swap3A_243 = vector.shape_cast %add3A_239 : vector<16xi32> to vector<16xi32>
      tpu.vector_store %arg10[%swap3A_240], %swap3A_243 {strides = array<i32>} : memref<512xi32, #tpu.memory_space<vmem>>, vector<16xi32>,
      %get3A_244 = arith.constant 112 : index
      %get3A_245 = tpu.vector_load %arg6[%get3A_244] {strides = array<i32>} : memref<512xi32, #tpu.memory_space<vmem>>, vector<16xi32>,
      %get3A_246 = vector.shape_cast %get3A_245 : vector<16xi32> to vector<16xi32>
      %add3A_247 = arith.constant 1 : i32
      %add3A_248 = vector.broadcast %add3A_247 : i32 to vector<16xi32>
      %add3A_249 = arith.addi %get3A_246, %add3A_248 : vector<16xi32>
      %swap3A_250 = arith.constant 112 : index
      %swap3A_251 = tpu.vector_load %arg7[%swap3A_250] {strides = array<i32>} : memref<512xi32, #tpu.memory_space<vmem>>, vector<16xi32>,
      %swap3A_252 = vector.shape_cast %swap3A_251 : vector<16xi32> to vector<16xi32>
      %swap3A_253 = vector.shape_cast %add3A_249 : vector<16xi32> to vector<16xi32>
      tpu.vector_store %arg7[%swap3A_250], %swap3A_253 {strides = array<i32>} : memref<512xi32, #tpu.memory_space<vmem>>, vector<16xi32>,
      %add3A_254 = arith.constant 2 : i32
      %add3A_255 = vector.broadcast %add3A_254 : i32 to vector<16xi32>
      %add3A_256 = arith.addi %get3A_246, %add3A_255 : vector<16xi32>
      %swap3A_257 = arith.constant 112 : index
      %swap3A_258 = tpu.vector_load %arg8[%swap3A_257] {strides = array<i32>} : memref<512xi32, #tpu.memory_space<vmem>>, vector<16xi32>,
      %swap3A_259 = vector.shape_cast %swap3A_258 : vector<16xi32> to vector<16xi32>
      %swap3A_260 = vector.shape_cast %add3A_256 : vector<16xi32> to vector<16xi32>
      tpu.vector_store %arg8[%swap3A_257], %swap3A_260 {strides = array<i32>} : memref<512xi32, #tpu.memory_space<vmem>>, vector<16xi32>,
      %add3A_261 = arith.constant 3 : i32
      %add3A_262 = vector.broadcast %add3A_261 : i32 to vector<16xi32>
      %add3A_263 = arith.addi %get3A_246, %add3A_262 : vector<16xi32>
      %swap3A_264 = arith.constant 112 : index
      %swap3A_265 = tpu.vector_load %arg9[%swap3A_264] {strides = array<i32>} : memref<512xi32, #tpu.memory_space<vmem>>, vector<16xi32>,
      %swap3A_266 = vector.shape_cast %swap3A_265 : vector<16xi32> to vector<16xi32>
      %swap3A_267 = vector.shape_cast %add3A_263 : vector<16xi32> to vector<16xi32>
      tpu.vector_store %arg9[%swap3A_264], %swap3A_267 {strides = array<i32>} : memref<512xi32, #tpu.memory_space<vmem>>, vector<16xi32>,
      %add3A_268 = arith.constant 4 : i32
      %add3A_269 = vector.broadcast %add3A_268 : i32 to vector<16xi32>
      %add3A_270 = arith.addi %get3A_246, %add3A_269 : vector<16xi32>
      %swap3A_271 = arith.constant 112 : index
      %swap3A_272 = tpu.vector_load %arg10[%swap3A_271] {strides = array<i32>} : memref<512xi32, #tpu.memory_space<vmem>>, vector<16xi32>,
      %swap3A_273 = vector.shape_cast %swap3A_272 : vector<16xi32> to vector<16xi32>
      %swap3A_274 = vector.shape_cast %add3A_270 : vector<16xi32> to vector<16xi32>
      tpu.vector_store %arg10[%swap3A_271], %swap3A_274 {strides = array<i32>} : memref<512xi32, #tpu.memory_space<vmem>>, vector<16xi32>,
      %get3A_275 = arith.constant 128 : index
      %get3A_276 = tpu.vector_load %arg6[%get3A_275] {strides = array<i32>} : memref<512xi32, #tpu.memory_space<vmem>>, vector<16xi32>,
      %get3A_277 = vector.shape_cast %get3A_276 : vector<16xi32> to vector<16xi32>
      %add3A_278 = arith.constant 1 : i32
      %add3A_279 = vector.broadcast %add3A_278 : i32 to vector<16xi32>
      %add3A_280 = arith.addi %get3A_277, %add3A_279 : vector<16xi32>
      %swap3A_281 = arith.constant 128 : index
      %swap3A_282 = tpu.vector_load %arg7[%swap3A_281] {strides = array<i32>} : memref<512xi32, #tpu.memory_space<vmem>>, vector<16xi32>,
      %swap3A_283 = vector.shape_cast %swap3A_282 : vector<16xi32> to vector<16xi32>
      %swap3A_284 = vector.shape_cast %add3A_280 : vector<16xi32> to vector<16xi32>
      tpu.vector_store %arg7[%swap3A_281], %swap3A_284 {strides = array<i32>} : memref<512xi32, #tpu.memory_space<vmem>>, vector<16xi32>,
      %add3A_285 = arith.constant 2 : i32
      %add3A_286 = vector.broadcast %add3A_285 : i32 to vector<16xi32>
      %add3A_287 = arith.addi %get3A_277, %add3A_286 : vector<16xi32>
      %swap3A_288 = arith.constant 128 : index
      %swap3A_289 = tpu.vector_load %arg8[%swap3A_288] {strides = array<i32>} : memref<512xi32, #tpu.memory_space<vmem>>, vector<16xi32>,
      %swap3A_290 = vector.shape_cast %swap3A_289 : vector<16xi32> to vector<16xi32>
      %swap3A_291 = vector.shape_cast %add3A_287 : vector<16xi32> to vector<16xi32>
      tpu.vector_store %arg8[%swap3A_288], %swap3A_291 {strides = array<i32>} : memref<512xi32, #tpu.memory_space<vmem>>, vector<16xi32>,
      %add3A_292 = arith.constant 3 : i32
      %add3A_293 = vector.broadcast %add3A_292 : i32 to vector<16xi32>
      %add3A_294 = arith.addi %get3A_277, %add3A_293 : vector<16xi32>
      %swap3A_295 = arith.constant 128 : index
      %swap3A_296 = tpu.vector_load %arg9[%swap3A_295] {strides = array<i32>} : memref<512xi32, #tpu.memory_space<vmem>>, vector<16xi32>,
      %swap3A_297 = vector.shape_cast %swap3A_296 : vector<16xi32> to vector<16xi32>
      %swap3A_298 = vector.shape_cast %add3A_294 : vector<16xi32> to vector<16xi32>
      tpu.vector_store %arg9[%swap3A_295], %swap3A_298 {strides = array<i32>} : memref<512xi32, #tpu.memory_space<vmem>>, vector<16xi32>,
      %add3A_299 = arith.constant 4 : i32
      %add3A_300 = vector.broadcast %add3A_299 : i32 to vector<16xi32>
      %add3A_301 = arith.addi %get3A_277, %add3A_300 : vector<16xi32>
      %swap3A_302 = arith.constant 128 : index
      %swap3A_303 = tpu.vector_load %arg10[%swap3A_302] {strides = array<i32>} : memref<512xi32, #tpu.memory_space<vmem>>, vector<16xi32>,
      %swap3A_304 = vector.shape_cast %swap3A_303 : vector<16xi32> to vector<16xi32>
      %swap3A_305 = vector.shape_cast %add3A_301 : vector<16xi32> to vector<16xi32>
      tpu.vector_store %arg10[%swap3A_302], %swap3A_305 {strides = array<i32>} : memref<512xi32, #tpu.memory_space<vmem>>, vector<16xi32>,
      %get3A_306 = arith.constant 144 : index
      %get3A_307 = tpu.vector_load %arg6[%get3A_306] {strides = array<i32>} : memref<512xi32, #tpu.memory_space<vmem>>, vector<16xi32>,
      %get3A_308 = vector.shape_cast %get3A_307 : vector<16xi32> to vector<16xi32>
      %add3A_309 = arith.constant 1 : i32
      %add3A_310 = vector.broadcast %add3A_309 : i32 to vector<16xi32>
      %add3A_311 = arith.addi %get3A_308, %add3A_310 : vector<16xi32>
      %swap3A_312 = arith.constant 144 : index
      %swap3A_313 = tpu.vector_load %arg7[%swap3A_312] {strides = array<i32>} : memref<512xi32, #tpu.memory_space<vmem>>, vector<16xi32>,
      %swap3A_314 = vector.shape_cast %swap3A_313 : vector<16xi32> to vector<16xi32>
      %swap3A_315 = vector.shape_cast %add3A_311 : vector<16xi32> to vector<16xi32>
      tpu.vector_store %arg7[%swap3A_312], %swap3A_315 {strides = array<i32>} : memref<512xi32, #tpu.memory_space<vmem>>, vector<16xi32>,
      %add3A_316 = arith.constant 2 : i32
      %add3A_317 = vector.broadcast %add3A_316 : i32 to vector<16xi32>
      %add3A_318 = arith.addi %get3A_308, %add3A_317 : vector<16xi32>
      %swap3A_319 = arith.constant 144 : index
      %swap3A_320 = tpu.vector_load %arg8[%swap3A_319] {strides = array<i32>} : memref<512xi32, #tpu.memory_space<vmem>>, vector<16xi32>,
      %swap3A_321 = vector.shape_cast %swap3A_320 : vector<16xi32> to vector<16xi32>
      %swap3A_322 = vector.shape_cast %add3A_318 : vector<16xi32> to vector<16xi32>
      tpu.vector_store %arg8[%swap3A_319], %swap3A_322 {strides = array<i32>} : memref<512xi32, #tpu.memory_space<vmem>>, vector<16xi32>,
      %add3A_323 = arith.constant 3 : i32
      %add3A_324 = vector.broadcast %add3A_323 : i32 to vector<16xi32>
      %add3A_325 = arith.addi %get3A_308, %add3A_324 : vector<16xi32>
      %swap3A_326 = arith.constant 144 : index
      %swap3A_327 = tpu.vector_load %arg9[%swap3A_326] {strides = array<i32>} : memref<512xi32, #tpu.memory_space<vmem>>, vector<16xi32>,
      %swap3A_328 = vector.shape_cast %swap3A_327 : vector<16xi32> to vector<16xi32>
      %swap3A_329 = vector.shape_cast %add3A_325 : vector<16xi32> to vector<16xi32>
      tpu.vector_store %arg9[%swap3A_326], %swap3A_329 {strides = array<i32>} : memref<512xi32, #tpu.memory_space<vmem>>, vector<16xi32>,
      %add3A_330 = arith.constant 4 : i32
      %add3A_331 = vector.broadcast %add3A_330 : i32 to vector<16xi32>
      %add3A_332 = arith.addi %get3A_308, %add3A_331 : vector<16xi32>
      %swap3A_333 = arith.constant 144 : index
      %swap3A_334 = tpu.vector_load %arg10[%swap3A_333] {strides = array<i32>} : memref<512xi32, #tpu.memory_space<vmem>>, vector<16xi32>,
      %swap3A_335 = vector.shape_cast %swap3A_334 : vector<16xi32> to vector<16xi32>
      %swap3A_336 = vector.shape_cast %add3A_332 : vector<16xi32> to vector<16xi32>
      tpu.vector_store %arg10[%swap3A_333], %swap3A_336 {strides = array<i32>} : memref<512xi32, #tpu.memory_space<vmem>>, vector<16xi32>,
      %get3A_337 = arith.constant 160 : index
      %get3A_338 = tpu.vector_load %arg6[%get3A_337] {strides = array<i32>} : memref<512xi32, #tpu.memory_space<vmem>>, vector<16xi32>,
      %get3A_339 = vector.shape_cast %get3A_338 : vector<16xi32> to vector<16xi32>
      %add3A_340 = arith.constant 1 : i32
      %add3A_341 = vector.broadcast %add3A_340 : i32 to vector<16xi32>
      %add3A_342 = arith.addi %get3A_339, %add3A_341 : vector<16xi32>
      %swap3A_343 = arith.constant 160 : index
      %swap3A_344 = tpu.vector_load %arg7[%swap3A_343] {strides = array<i32>} : memref<512xi32, #tpu.memory_space<vmem>>, vector<16xi32>,
      %swap3A_345 = vector.shape_cast %swap3A_344 : vector<16xi32> to vector<16xi32>
      %swap3A_346 = vector.shape_cast %add3A_342 : vector<16xi32> to vector<16xi32>
      tpu.vector_store %arg7[%swap3A_343], %swap3A_346 {strides = array<i32>} : memref<512xi32, #tpu.memory_space<vmem>>, vector<16xi32>,
      %add3A_347 = arith.constant 2 : i32
      %add3A_348 = vector.broadcast %add3A_347 : i32 to vector<16xi32>
      %add3A_349 = arith.addi %get3A_339, %add3A_348 : vector<16xi32>
      %swap3A_350 = arith.constant 160 : index
      %swap3A_351 = tpu.vector_load %arg8[%swap3A_350] {strides = array<i32>} : memref<512xi32, #tpu.memory_space<vmem>>, vector<16xi32>,
      %swap3A_352 = vector.shape_cast %swap3A_351 : vector<16xi32> to vector<16xi32>
      %swap3A_353 = vector.shape_cast %add3A_349 : vector<16xi32> to vector<16xi32>
      tpu.vector_store %arg8[%swap3A_350], %swap3A_353 {strides = array<i32>} : memref<512xi32, #tpu.memory_space<vmem>>, vector<16xi32>,
      %add3A_354 = arith.constant 3 : i32
      %add3A_355 = vector.broadcast %add3A_354 : i32 to vector<16xi32>
      %add3A_356 = arith.addi %get3A_339, %add3A_355 : vector<16xi32>
      %swap3A_357 = arith.constant 160 : index
      %swap3A_358 = tpu.vector_load %arg9[%swap3A_357] {strides = array<i32>} : memref<512xi32, #tpu.memory_space<vmem>>, vector<16xi32>,
      %swap3A_359 = vector.shape_cast %swap3A_358 : vector<16xi32> to vector<16xi32>
      %swap3A_360 = vector.shape_cast %add3A_356 : vector<16xi32> to vector<16xi32>
      tpu.vector_store %arg9[%swap3A_357], %swap3A_360 {strides = array<i32>} : memref<512xi32, #tpu.memory_space<vmem>>, vector<16xi32>,
      %add3A_361 = arith.constant 4 : i32
      %add3A_362 = vector.broadcast %add3A_361 : i32 to vector<16xi32>
      %add3A_363 = arith.addi %get3A_339, %add3A_362 : vector<16xi32>
      %swap3A_364 = arith.constant 160 : index
      %swap3A_365 = tpu.vector_load %arg10[%swap3A_364] {strides = array<i32>} : memref<512xi32, #tpu.memory_space<vmem>>, vector<16xi32>,
      %swap3A_366 = vector.shape_cast %swap3A_365 : vector<16xi32> to vector<16xi32>
      %swap3A_367 = vector.shape_cast %add3A_363 : vector<16xi32> to vector<16xi32>
      tpu.vector_store %arg10[%swap3A_364], %swap3A_367 {strides = array<i32>} : memref<512xi32, #tpu.memory_space<vmem>>, vector<16xi32>,
      %get3A_368 = arith.constant 176 : index
      %get3A_369 = tpu.vector_load %arg6[%get3A_368] {strides = array<i32>} : memref<512xi32, #tpu.memory_space<vmem>>, vector<16xi32>,
      %get3A_370 = vector.shape_cast %get3A_369 : vector<16xi32> to vector<16xi32>
      %add3A_371 = arith.constant 1 : i32
      %add3A_372 = vector.broadcast %add3A_371 : i32 to vector<16xi32>
      %add3A_373 = arith.addi %get3A_370, %add3A_372 : vector<16xi32>
      %swap3A_374 = arith.constant 176 : index
      %swap3A_375 = tpu.vector_load %arg7[%swap3A_374] {strides = array<i32>} : memref<512xi32, #tpu.memory_space<vmem>>, vector<16xi32>,
      %swap3A_376 = vector.shape_cast %swap3A_375 : vector<16xi32> to vector<16xi32>
      %swap3A_377 = vector.shape_cast %add3A_373 : vector<16xi32> to vector<16xi32>
      tpu.vector_store %arg7[%swap3A_374], %swap3A_377 {strides = array<i32>} : memref<512xi32, #tpu.memory_space<vmem>>, vector<16xi32>,
      %add3A_378 = arith.constant 2 : i32
      %add3A_379 = vector.broadcast %add3A_378 : i32 to vector<16xi32>
      %add3A_380 = arith.addi %get3A_370, %add3A_379 : vector<16xi32>
      %swap3A_381 = arith.constant 176 : index
      %swap3A_382 = tpu.vector_load %arg8[%swap3A_381] {strides = array<i32>} : memref<512xi32, #tpu.memory_space<vmem>>, vector<16xi32>,
      %swap3A_383 = vector.shape_cast %swap3A_382 : vector<16xi32> to vector<16xi32>
      %swap3A_384 = vector.shape_cast %add3A_380 : vector<16xi32> to vector<16xi32>
      tpu.vector_store %arg8[%swap3A_381], %swap3A_384 {strides = array<i32>} : memref<512xi32, #tpu.memory_space<vmem>>, vector<16xi32>,
      %add3A_385 = arith.constant 3 : i32
      %add3A_386 = vector.broadcast %add3A_385 : i32 to vector<16xi32>
      %add3A_387 = arith.addi %get3A_370, %add3A_386 : vector<16xi32>
      %swap3A_388 = arith.constant 176 : index
      %swap3A_389 = tpu.vector_load %arg9[%swap3A_388] {strides = array<i32>} : memref<512xi32, #tpu.memory_space<vmem>>, vector<16xi32>,
      %swap3A_390 = vector.shape_cast %swap3A_389 : vector<16xi32> to vector<16xi32>
      %swap3A_391 = vector.shape_cast %add3A_387 : vector<16xi32> to vector<16xi32>
      tpu.vector_store %arg9[%swap3A_388], %swap3A_391 {strides = array<i32>} : memref<512xi32, #tpu.memory_space<vmem>>, vector<16xi32>,
      %add3A_392 = arith.constant 4 : i32
      %add3A_393 = vector.broadcast %add3A_392 : i32 to vector<16xi32>
      %add3A_394 = arith.addi %get3A_370, %add3A_393 : vector<16xi32>
      %swap3A_395 = arith.constant 176 : index
      %swap3A_396 = tpu.vector_load %arg10[%swap3A_395] {strides = array<i32>} : memref<512xi32, #tpu.memory_space<vmem>>, vector<16xi32>,
      %swap3A_397 = vector.shape_cast %swap3A_396 : vector<16xi32> to vector<16xi32>
      %swap3A_398 = vector.shape_cast %add3A_394 : vector<16xi32> to vector<16xi32>
      tpu.vector_store %arg10[%swap3A_395], %swap3A_398 {strides = array<i32>} : memref<512xi32, #tpu.memory_space<vmem>>, vector<16xi32>,
      %get3A_399 = arith.constant 192 : index
      %get3A_400 = tpu.vector_load %arg6[%get3A_399] {strides = array<i32>} : memref<512xi32, #tpu.memory_space<vmem>>, vector<16xi32>,
      %get3A_401 = vector.shape_cast %get3A_400 : vector<16xi32> to vector<16xi32>
      %add3A_402 = arith.constant 1 : i32
      %add3A_403 = vector.broadcast %add3A_402 : i32 to vector<16xi32>
      %add3A_404 = arith.addi %get3A_401, %add3A_403 : vector<16xi32>
      %swap3A_405 = arith.constant 192 : index
      %swap3A_406 = tpu.vector_load %arg7[%swap3A_405] {strides = array<i32>} : memref<512xi32, #tpu.memory_space<vmem>>, vector<16xi32>,
      %swap3A_407 = vector.shape_cast %swap3A_406 : vector<16xi32> to vector<16xi32>
      %swap3A_408 = vector.shape_cast %add3A_404 : vector<16xi32> to vector<16xi32>
      tpu.vector_store %arg7[%swap3A_405], %swap3A_408 {strides = array<i32>} : memref<512xi32, #tpu.memory_space<vmem>>, vector<16xi32>,
      %add3A_409 = arith.constant 2 : i32
      %add3A_410 = vector.broadcast %add3A_409 : i32 to vector<16xi32>
      %add3A_411 = arith.addi %get3A_401, %add3A_410 : vector<16xi32>
      %swap3A_412 = arith.constant 192 : index
      %swap3A_413 = tpu.vector_load %arg8[%swap3A_412] {strides = array<i32>} : memref<512xi32, #tpu.memory_space<vmem>>, vector<16xi32>,
      %swap3A_414 = vector.shape_cast %swap3A_413 : vector<16xi32> to vector<16xi32>
      %swap3A_415 = vector.shape_cast %add3A_411 : vector<16xi32> to vector<16xi32>
      tpu.vector_store %arg8[%swap3A_412], %swap3A_415 {strides = array<i32>} : memref<512xi32, #tpu.memory_space<vmem>>, vector<16xi32>,
      %add3A_416 = arith.constant 3 : i32
      %add3A_417 = vector.broadcast %add3A_416 : i32 to vector<16xi32>
      %add3A_418 = arith.addi %get3A_401, %add3A_417 : vector<16xi32>
      %swap3A_419 = arith.constant 192 : index
      %swap3A_420 = tpu.vector_load %arg9[%swap3A_419] {strides = array<i32>} : memref<512xi32, #tpu.memory_space<vmem>>, vector<16xi32>,
      %swap3A_421 = vector.shape_cast %swap3A_420 : vector<16xi32> to vector<16xi32>
      %swap3A_422 = vector.shape_cast %add3A_418 : vector<16xi32> to vector<16xi32>
      tpu.vector_store %arg9[%swap3A_419], %swap3A_422 {strides = array<i32>} : memref<512xi32, #tpu.memory_space<vmem>>, vector<16xi32>,
      %add3A_423 = arith.constant 4 : i32
      %add3A_424 = vector.broadcast %add3A_423 : i32 to vector<16xi32>
      %add3A_425 = arith.addi %get3A_401, %add3A_424 : vector<16xi32>
      %swap3A_426 = arith.constant 192 : index
      %swap3A_427 = tpu.vector_load %arg10[%swap3A_426] {strides = array<i32>} : memref<512xi32, #tpu.memory_space<vmem>>, vector<16xi32>,
      %swap3A_428 = vector.shape_cast %swap3A_427 : vector<16xi32> to vector<16xi32>
      %swap3A_429 = vector.shape_cast %add3A_425 : vector<16xi32> to vector<16xi32>
      tpu.vector_store %arg10[%swap3A_426], %swap3A_429 {strides = array<i32>} : memref<512xi32, #tpu.memory_space<vmem>>, vector<16xi32>,
      %get3A_430 = arith.constant 208 : index
      %get3A_431 = tpu.vector_load %arg6[%get3A_430] {strides = array<i32>} : memref<512xi32, #tpu.memory_space<vmem>>, vector<16xi32>,
      %get3A_432 = vector.shape_cast %get3A_431 : vector<16xi32> to vector<16xi32>
      %add3A_433 = arith.constant 1 : i32
      %add3A_434 = vector.broadcast %add3A_433 : i32 to vector<16xi32>
      %add3A_435 = arith.addi %get3A_432, %add3A_434 : vector<16xi32>
      %swap3A_436 = arith.constant 208 : index
      %swap3A_437 = tpu.vector_load %arg7[%swap3A_436] {strides = array<i32>} : memref<512xi32, #tpu.memory_space<vmem>>, vector<16xi32>,
      %swap3A_438 = vector.shape_cast %swap3A_437 : vector<16xi32> to vector<16xi32>
      %swap3A_439 = vector.shape_cast %add3A_435 : vector<16xi32> to vector<16xi32>
      tpu.vector_store %arg7[%swap3A_436], %swap3A_439 {strides = array<i32>} : memref<512xi32, #tpu.memory_space<vmem>>, vector<16xi32>,
      %add3A_440 = arith.constant 2 : i32
      %add3A_441 = vector.broadcast %add3A_440 : i32 to vector<16xi32>
      %add3A_442 = arith.addi %get3A_432, %add3A_441 : vector<16xi32>
      %swap3A_443 = arith.constant 208 : index
      %swap3A_444 = tpu.vector_load %arg8[%swap3A_443] {strides = array<i32>} : memref<512xi32, #tpu.memory_space<vmem>>, vector<16xi32>,
      %swap3A_445 = vector.shape_cast %swap3A_444 : vector<16xi32> to vector<16xi32>
      %swap3A_446 = vector.shape_cast %add3A_442 : vector<16xi32> to vector<16xi32>
      tpu.vector_store %arg8[%swap3A_443], %swap3A_446 {strides = array<i32>} : memref<512xi32, #tpu.memory_space<vmem>>, vector<16xi32>,
      %add3A_447 = arith.constant 3 : i32
      %add3A_448 = vector.broadcast %add3A_447 : i32 to vector<16xi32>
      %add3A_449 = arith.addi %get3A_432, %add3A_448 : vector<16xi32>
      %swap3A_450 = arith.constant 208 : index
      %swap3A_451 = tpu.vector_load %arg9[%swap3A_450] {strides = array<i32>} : memref<512xi32, #tpu.memory_space<vmem>>, vector<16xi32>,
      %swap3A_452 = vector.shape_cast %swap3A_451 : vector<16xi32> to vector<16xi32>
      %swap3A_453 = vector.shape_cast %add3A_449 : vector<16xi32> to vector<16xi32>
      tpu.vector_store %arg9[%swap3A_450], %swap3A_453 {strides = array<i32>} : memref<512xi32, #tpu.memory_space<vmem>>, vector<16xi32>,
      %add3A_454 = arith.constant 4 : i32
      %add3A_455 = vector.broadcast %add3A_454 : i32 to vector<16xi32>
      %add3A_456 = arith.addi %get3A_432, %add3A_455 : vector<16xi32>
      %swap3A_457 = arith.constant 208 : index
      %swap3A_458 = tpu.vector_load %arg10[%swap3A_457] {strides = array<i32>} : memref<512xi32, #tpu.memory_space<vmem>>, vector<16xi32>,
      %swap3A_459 = vector.shape_cast %swap3A_458 : vector<16xi32> to vector<16xi32>
      %swap3A_460 = vector.shape_cast %add3A_456 : vector<16xi32> to vector<16xi32>
      tpu.vector_store %arg10[%swap3A_457], %swap3A_460 {strides = array<i32>} : memref<512xi32, #tpu.memory_space<vmem>>, vector<16xi32>,
      %get3A_461 = arith.constant 224 : index
      %get3A_462 = tpu.vector_load %arg6[%get3A_461] {strides = array<i32>} : memref<512xi32, #tpu.memory_space<vmem>>, vector<16xi32>,
      %get3A_463 = vector.shape_cast %get3A_462 : vector<16xi32> to vector<16xi32>
      %add3A_464 = arith.constant 1 : i32
      %add3A_465 = vector.broadcast %add3A_464 : i32 to vector<16xi32>
      %add3A_466 = arith.addi %get3A_463, %add3A_465 : vector<16xi32>
      %swap3A_467 = arith.constant 224 : index
      %swap3A_468 = tpu.vector_load %arg7[%swap3A_467] {strides = array<i32>} : memref<512xi32, #tpu.memory_space<vmem>>, vector<16xi32>,
      %swap3A_469 = vector.shape_cast %swap3A_468 : vector<16xi32> to vector<16xi32>
      %swap3A_470 = vector.shape_cast %add3A_466 : vector<16xi32> to vector<16xi32>
      tpu.vector_store %arg7[%swap3A_467], %swap3A_470 {strides = array<i32>} : memref<512xi32, #tpu.memory_space<vmem>>, vector<16xi32>,
      %add3A_471 = arith.constant 2 : i32
      %add3A_472 = vector.broadcast %add3A_471 : i32 to vector<16xi32>
      %add3A_473 = arith.addi %get3A_463, %add3A_472 : vector<16xi32>
      %swap3A_474 = arith.constant 224 : index
      %swap3A_475 = tpu.vector_load %arg8[%swap3A_474] {strides = array<i32>} : memref<512xi32, #tpu.memory_space<vmem>>, vector<16xi32>,
      %swap3A_476 = vector.shape_cast %swap3A_475 : vector<16xi32> to vector<16xi32>
      %swap3A_477 = vector.shape_cast %add3A_473 : vector<16xi32> to vector<16xi32>
      tpu.vector_store %arg8[%swap3A_474], %swap3A_477 {strides = array<i32>} : memref<512xi32, #tpu.memory_space<vmem>>, vector<16xi32>,
      %add3A_478 = arith.constant 3 : i32
      %add3A_479 = vector.broadcast %add3A_478 : i32 to vector<16xi32>
      %add3A_480 = arith.addi %get3A_463, %add3A_479 : vector<16xi32>
      %swap3A_481 = arith.constant 224 : index
      %swap3A_482 = tpu.vector_load %arg9[%swap3A_481] {strides = array<i32>} : memref<512xi32, #tpu.memory_space<vmem>>, vector<16xi32>,
      %swap3A_483 = vector.shape_cast %swap3A_482 : vector<16xi32> to vector<16xi32>
      %swap3A_484 = vector.shape_cast %add3A_480 : vector<16xi32> to vector<16xi32>
      tpu.vector_store %arg9[%swap3A_481], %swap3A_484 {strides = array<i32>} : memref<512xi32, #tpu.memory_space<vmem>>, vector<16xi32>,
      %add3A_485 = arith.constant 4 : i32
      %add3A_486 = vector.broadcast %add3A_485 : i32 to vector<16xi32>
      %add3A_487 = arith.addi %get3A_463, %add3A_486 : vector<16xi32>
      %swap3A_488 = arith.constant 224 : index
      %swap3A_489 = tpu.vector_load %arg10[%swap3A_488] {strides = array<i32>} : memref<512xi32, #tpu.memory_space<vmem>>, vector<16xi32>,
      %swap3A_490 = vector.shape_cast %swap3A_489 : vector<16xi32> to vector<16xi32>
      %swap3A_491 = vector.shape_cast %add3A_487 : vector<16xi32> to vector<16xi32>
      tpu.vector_store %arg10[%swap3A_488], %swap3A_491 {strides = array<i32>} : memref<512xi32, #tpu.memory_space<vmem>>, vector<16xi32>,
      %get3A_492 = arith.constant 240 : index
      %get3A_493 = tpu.vector_load %arg6[%get3A_492] {strides = array<i32>} : memref<512xi32, #tpu.memory_space<vmem>>, vector<16xi32>,
      %get3A_494 = vector.shape_cast %get3A_493 : vector<16xi32> to vector<16xi32>
      %add3A_495 = arith.constant 1 : i32
      %add3A_496 = vector.broadcast %add3A_495 : i32 to vector<16xi32>
      %add3A_497 = arith.addi %get3A_494, %add3A_496 : vector<16xi32>
      %swap3A_498 = arith.constant 240 : index
      %swap3A_499 = tpu.vector_load %arg7[%swap3A_498] {strides = array<i32>} : memref<512xi32, #tpu.memory_space<vmem>>, vector<16xi32>,
      %swap3A_500 = vector.shape_cast %swap3A_499 : vector<16xi32> to vector<16xi32>
      %swap3A_501 = vector.shape_cast %add3A_497 : vector<16xi32> to vector<16xi32>
      tpu.vector_store %arg7[%swap3A_498], %swap3A_501 {strides = array<i32>} : memref<512xi32, #tpu.memory_space<vmem>>, vector<16xi32>,
      %add3A_502 = arith.constant 2 : i32
      %add3A_503 = vector.broadcast %add3A_502 : i32 to vector<16xi32>
      %add3A_504 = arith.addi %get3A_494, %add3A_503 : vector<16xi32>
      %swap3A_505 = arith.constant 240 : index
      %swap3A_506 = tpu.vector_load %arg8[%swap3A_505] {strides = array<i32>} : memref<512xi32, #tpu.memory_space<vmem>>, vector<16xi32>,
      %swap3A_507 = vector.shape_cast %swap3A_506 : vector<16xi32> to vector<16xi32>
      %swap3A_508 = vector.shape_cast %add3A_504 : vector<16xi32> to vector<16xi32>
      tpu.vector_store %arg8[%swap3A_505], %swap3A_508 {strides = array<i32>} : memref<512xi32, #tpu.memory_space<vmem>>, vector<16xi32>,
      %add3A_509 = arith.constant 3 : i32
      %add3A_510 = vector.broadcast %add3A_509 : i32 to vector<16xi32>
      %add3A_511 = arith.addi %get3A_494, %add3A_510 : vector<16xi32>
      %swap3A_512 = arith.constant 240 : index
      %swap3A_513 = tpu.vector_load %arg9[%swap3A_512] {strides = array<i32>} : memref<512xi32, #tpu.memory_space<vmem>>, vector<16xi32>,
      %swap3A_514 = vector.shape_cast %swap3A_513 : vector<16xi32> to vector<16xi32>
      %swap3A_515 = vector.shape_cast %add3A_511 : vector<16xi32> to vector<16xi32>
      tpu.vector_store %arg9[%swap3A_512], %swap3A_515 {strides = array<i32>} : memref<512xi32, #tpu.memory_space<vmem>>, vector<16xi32>,
      %add3A_516 = arith.constant 4 : i32
      %add3A_517 = vector.broadcast %add3A_516 : i32 to vector<16xi32>
      %add3A_518 = arith.addi %get3A_494, %add3A_517 : vector<16xi32>
      %swap3A_519 = arith.constant 240 : index
      %swap3A_520 = tpu.vector_load %arg10[%swap3A_519] {strides = array<i32>} : memref<512xi32, #tpu.memory_space<vmem>>, vector<16xi32>,
      %swap3A_521 = vector.shape_cast %swap3A_520 : vector<16xi32> to vector<16xi32>
      %swap3A_522 = vector.shape_cast %add3A_518 : vector<16xi32> to vector<16xi32>
      tpu.vector_store %arg10[%swap3A_519], %swap3A_522 {strides = array<i32>} : memref<512xi32, #tpu.memory_space<vmem>>, vector<16xi32>,
      %get3A_523 = arith.constant 256 : index
      %get3A_524 = tpu.vector_load %arg6[%get3A_523] {strides = array<i32>} : memref<512xi32, #tpu.memory_space<vmem>>, vector<16xi32>,
      %get3A_525 = vector.shape_cast %get3A_524 : vector<16xi32> to vector<16xi32>
      %add3A_526 = arith.constant 1 : i32
      %add3A_527 = vector.broadcast %add3A_526 : i32 to vector<16xi32>
      %add3A_528 = arith.addi %get3A_525, %add3A_527 : vector<16xi32>
      %swap3A_529 = arith.constant 256 : index
      %swap3A_530 = tpu.vector_load %arg7[%swap3A_529] {strides = array<i32>} : memref<512xi32, #tpu.memory_space<vmem>>, vector<16xi32>,
      %swap3A_531 = vector.shape_cast %swap3A_530 : vector<16xi32> to vector<16xi32>
      %swap3A_532 = vector.shape_cast %add3A_528 : vector<16xi32> to vector<16xi32>
      tpu.vector_store %arg7[%swap3A_529], %swap3A_532 {strides = array<i32>} : memref<512xi32, #tpu.memory_space<vmem>>, vector<16xi32>,
      %add3A_533 = arith.constant 2 : i32
      %add3A_534 = vector.broadcast %add3A_533 : i32 to vector<16xi32>
      %add3A_535 = arith.addi %get3A_525, %add3A_534 : vector<16xi32>
      %swap3A_536 = arith.constant 256 : index
      %swap3A_537 = tpu.vector_load %arg8[%swap3A_536] {strides = array<i32>} : memref<512xi32, #tpu.memory_space<vmem>>, vector<16xi32>,
      %swap3A_538 = vector.shape_cast %swap3A_537 : vector<16xi32> to vector<16xi32>
      %swap3A_539 = vector.shape_cast %add3A_535 : vector<16xi32> to vector<16xi32>
      tpu.vector_store %arg8[%swap3A_536], %swap3A_539 {strides = array<i32>} : memref<512xi32, #tpu.memory_space<vmem>>, vector<16xi32>,
      %add3A_540 = arith.constant 3 : i32
      %add3A_541 = vector.broadcast %add3A_540 : i32 to vector<16xi32>
      %add3A_542 = arith.addi %get3A_525, %add3A_541 : vector<16xi32>
      %swap3A_543 = arith.constant 256 : index
      %swap3A_544 = tpu.vector_load %arg9[%swap3A_543] {strides = array<i32>} : memref<512xi32, #tpu.memory_space<vmem>>, vector<16xi32>,
      %swap3A_545 = vector.shape_cast %swap3A_544 : vector<16xi32> to vector<16xi32>
      %swap3A_546 = vector.shape_cast %add3A_542 : vector<16xi32> to vector<16xi32>
      tpu.vector_store %arg9[%swap3A_543], %swap3A_546 {strides = array<i32>} : memref<512xi32, #tpu.memory_space<vmem>>, vector<16xi32>,
      %add3A_547 = arith.constant 4 : i32
      %add3A_548 = vector.broadcast %add3A_547 : i32 to vector<16xi32>
      %add3A_549 = arith.addi %get3A_525, %add3A_548 : vector<16xi32>
      %swap3A_550 = arith.constant 256 : index
      %swap3A_551 = tpu.vector_load %arg10[%swap3A_550] {strides = array<i32>} : memref<512xi32, #tpu.memory_space<vmem>>, vector<16xi32>,
      %swap3A_552 = vector.shape_cast %swap3A_551 : vector<16xi32> to vector<16xi32>
      %swap3A_553 = vector.shape_cast %add3A_549 : vector<16xi32> to vector<16xi32>
      tpu.vector_store %arg10[%swap3A_550], %swap3A_553 {strides = array<i32>} : memref<512xi32, #tpu.memory_space<vmem>>, vector<16xi32>,
      %get3A_554 = arith.constant 272 : index
      %get3A_555 = tpu.vector_load %arg6[%get3A_554] {strides = array<i32>} : memref<512xi32, #tpu.memory_space<vmem>>, vector<16xi32>,
      %get3A_556 = vector.shape_cast %get3A_555 : vector<16xi32> to vector<16xi32>
      %add3A_557 = arith.constant 1 : i32
      %add3A_558 = vector.broadcast %add3A_557 : i32 to vector<16xi32>
      %add3A_559 = arith.addi %get3A_556, %add3A_558 : vector<16xi32>
      %swap3A_560 = arith.constant 272 : index
      %swap3A_561 = tpu.vector_load %arg7[%swap3A_560] {strides = array<i32>} : memref<512xi32, #tpu.memory_space<vmem>>, vector<16xi32>,
      %swap3A_562 = vector.shape_cast %swap3A_561 : vector<16xi32> to vector<16xi32>
      %swap3A_563 = vector.shape_cast %add3A_559 : vector<16xi32> to vector<16xi32>
      tpu.vector_store %arg7[%swap3A_560], %swap3A_563 {strides = array<i32>} : memref<512xi32, #tpu.memory_space<vmem>>, vector<16xi32>,
      %add3A_564 = arith.constant 2 : i32
      %add3A_565 = vector.broadcast %add3A_564 : i32 to vector<16xi32>
      %add3A_566 = arith.addi %get3A_556, %add3A_565 : vector<16xi32>
      %swap3A_567 = arith.constant 272 : index
      %swap3A_568 = tpu.vector_load %arg8[%swap3A_567] {strides = array<i32>} : memref<512xi32, #tpu.memory_space<vmem>>, vector<16xi32>,
      %swap3A_569 = vector.shape_cast %swap3A_568 : vector<16xi32> to vector<16xi32>
      %swap3A_570 = vector.shape_cast %add3A_566 : vector<16xi32> to vector<16xi32>
      tpu.vector_store %arg8[%swap3A_567], %swap3A_570 {strides = array<i32>} : memref<512xi32, #tpu.memory_space<vmem>>, vector<16xi32>,
      %add3A_571 = arith.constant 3 : i32
      %add3A_572 = vector.broadcast %add3A_571 : i32 to vector<16xi32>
      %add3A_573 = arith.addi %get3A_556, %add3A_572 : vector<16xi32>
      %swap3A_574 = arith.constant 272 : index
      %swap3A_575 = tpu.vector_load %arg9[%swap3A_574] {strides = array<i32>} : memref<512xi32, #tpu.memory_space<vmem>>, vector<16xi32>,
      %swap3A_576 = vector.shape_cast %swap3A_575 : vector<16xi32> to vector<16xi32>
      %swap3A_577 = vector.shape_cast %add3A_573 : vector<16xi32> to vector<16xi32>
      tpu.vector_store %arg9[%swap3A_574], %swap3A_577 {strides = array<i32>} : memref<512xi32, #tpu.memory_space<vmem>>, vector<16xi32>,
      %add3A_578 = arith.constant 4 : i32
      %add3A_579 = vector.broadcast %add3A_578 : i32 to vector<16xi32>
      %add3A_580 = arith.addi %get3A_556, %add3A_579 : vector<16xi32>
      %swap3A_581 = arith.constant 272 : index
      %swap3A_582 = tpu.vector_load %arg10[%swap3A_581] {strides = array<i32>} : memref<512xi32, #tpu.memory_space<vmem>>, vector<16xi32>,
      %swap3A_583 = vector.shape_cast %swap3A_582 : vector<16xi32> to vector<16xi32>
      %swap3A_584 = vector.shape_cast %add3A_580 : vector<16xi32> to vector<16xi32>
      tpu.vector_store %arg10[%swap3A_581], %swap3A_584 {strides = array<i32>} : memref<512xi32, #tpu.memory_space<vmem>>, vector<16xi32>,
      %get3A_585 = arith.constant 288 : index
      %get3A_586 = tpu.vector_load %arg6[%get3A_585] {strides = array<i32>} : memref<512xi32, #tpu.memory_space<vmem>>, vector<16xi32>,
      %get3A_587 = vector.shape_cast %get3A_586 : vector<16xi32> to vector<16xi32>
      %add3A_588 = arith.constant 1 : i32
      %add3A_589 = vector.broadcast %add3A_588 : i32 to vector<16xi32>
      %add3A_590 = arith.addi %get3A_587, %add3A_589 : vector<16xi32>
      %swap3A_591 = arith.constant 288 : index
      %swap3A_592 = tpu.vector_load %arg7[%swap3A_591] {strides = array<i32>} : memref<512xi32, #tpu.memory_space<vmem>>, vector<16xi32>,
      %swap3A_593 = vector.shape_cast %swap3A_592 : vector<16xi32> to vector<16xi32>
      %swap3A_594 = vector.shape_cast %add3A_590 : vector<16xi32> to vector<16xi32>
      tpu.vector_store %arg7[%swap3A_591], %swap3A_594 {strides = array<i32>} : memref<512xi32, #tpu.memory_space<vmem>>, vector<16xi32>,
      %add3A_595 = arith.constant 2 : i32
      %add3A_596 = vector.broadcast %add3A_595 : i32 to vector<16xi32>
      %add3A_597 = arith.addi %get3A_587, %add3A_596 : vector<16xi32>
      %swap3A_598 = arith.constant 288 : index
      %swap3A_599 = tpu.vector_load %arg8[%swap3A_598] {strides = array<i32>} : memref<512xi32, #tpu.memory_space<vmem>>, vector<16xi32>,
      %swap3A_600 = vector.shape_cast %swap3A_599 : vector<16xi32> to vector<16xi32>
      %swap3A_601 = vector.shape_cast %add3A_597 : vector<16xi32> to vector<16xi32>
      tpu.vector_store %arg8[%swap3A_598], %swap3A_601 {strides = array<i32>} : memref<512xi32, #tpu.memory_space<vmem>>, vector<16xi32>,
      %add3A_602 = arith.constant 3 : i32
      %add3A_603 = vector.broadcast %add3A_602 : i32 to vector<16xi32>
      %add3A_604 = arith.addi %get3A_587, %add3A_603 : vector<16xi32>
      %swap3A_605 = arith.constant 288 : index
      %swap3A_606 = tpu.vector_load %arg9[%swap3A_605] {strides = array<i32>} : memref<512xi32, #tpu.memory_space<vmem>>, vector<16xi32>,
      %swap3A_607 = vector.shape_cast %swap3A_606 : vector<16xi32> to vector<16xi32>
      %swap3A_608 = vector.shape_cast %add3A_604 : vector<16xi32> to vector<16xi32>
      tpu.vector_store %arg9[%swap3A_605], %swap3A_608 {strides = array<i32>} : memref<512xi32, #tpu.memory_space<vmem>>, vector<16xi32>,
      %add3A_609 = arith.constant 4 : i32
      %add3A_610 = vector.broadcast %add3A_609 : i32 to vector<16xi32>
      %add3A_611 = arith.addi %get3A_587, %add3A_610 : vector<16xi32>
      %swap3A_612 = arith.constant 288 : index
      %swap3A_613 = tpu.vector_load %arg10[%swap3A_612] {strides = array<i32>} : memref<512xi32, #tpu.memory_space<vmem>>, vector<16xi32>,
      %swap3A_614 = vector.shape_cast %swap3A_613 : vector<16xi32> to vector<16xi32>
      %swap3A_615 = vector.shape_cast %add3A_611 : vector<16xi32> to vector<16xi32>
      tpu.vector_store %arg10[%swap3A_612], %swap3A_615 {strides = array<i32>} : memref<512xi32, #tpu.memory_space<vmem>>, vector<16xi32>,
      %get3A_616 = arith.constant 304 : index
      %get3A_617 = tpu.vector_load %arg6[%get3A_616] {strides = array<i32>} : memref<512xi32, #tpu.memory_space<vmem>>, vector<16xi32>,
      %get3A_618 = vector.shape_cast %get3A_617 : vector<16xi32> to vector<16xi32>
      %add3A_619 = arith.constant 1 : i32
      %add3A_620 = vector.broadcast %add3A_619 : i32 to vector<16xi32>
      %add3A_621 = arith.addi %get3A_618, %add3A_620 : vector<16xi32>
      %swap3A_622 = arith.constant 304 : index
      %swap3A_623 = tpu.vector_load %arg7[%swap3A_622] {strides = array<i32>} : memref<512xi32, #tpu.memory_space<vmem>>, vector<16xi32>,
      %swap3A_624 = vector.shape_cast %swap3A_623 : vector<16xi32> to vector<16xi32>
      %swap3A_625 = vector.shape_cast %add3A_621 : vector<16xi32> to vector<16xi32>
      tpu.vector_store %arg7[%swap3A_622], %swap3A_625 {strides = array<i32>} : memref<512xi32, #tpu.memory_space<vmem>>, vector<16xi32>,
      %add3A_626 = arith.constant 2 : i32
      %add3A_627 = vector.broadcast %add3A_626 : i32 to vector<16xi32>
      %add3A_628 = arith.addi %get3A_618, %add3A_627 : vector<16xi32>
      %swap3A_629 = arith.constant 304 : index
      %swap3A_630 = tpu.vector_load %arg8[%swap3A_629] {strides = array<i32>} : memref<512xi32, #tpu.memory_space<vmem>>, vector<16xi32>,
      %swap3A_631 = vector.shape_cast %swap3A_630 : vector<16xi32> to vector<16xi32>
      %swap3A_632 = vector.shape_cast %add3A_628 : vector<16xi32> to vector<16xi32>
      tpu.vector_store %arg8[%swap3A_629], %swap3A_632 {strides = array<i32>} : memref<512xi32, #tpu.memory_space<vmem>>, vector<16xi32>,
      %add3A_633 = arith.constant 3 : i32
      %add3A_634 = vector.broadcast %add3A_633 : i32 to vector<16xi32>
      %add3A_635 = arith.addi %get3A_618, %add3A_634 : vector<16xi32>
      %swap3A_636 = arith.constant 304 : index
      %swap3A_637 = tpu.vector_load %arg9[%swap3A_636] {strides = array<i32>} : memref<512xi32, #tpu.memory_space<vmem>>, vector<16xi32>,
      %swap3A_638 = vector.shape_cast %swap3A_637 : vector<16xi32> to vector<16xi32>
      %swap3A_639 = vector.shape_cast %add3A_635 : vector<16xi32> to vector<16xi32>
      tpu.vector_store %arg9[%swap3A_636], %swap3A_639 {strides = array<i32>} : memref<512xi32, #tpu.memory_space<vmem>>, vector<16xi32>,
      %add3A_640 = arith.constant 4 : i32
      %add3A_641 = vector.broadcast %add3A_640 : i32 to vector<16xi32>
      %add3A_642 = arith.addi %get3A_618, %add3A_641 : vector<16xi32>
      %swap3A_643 = arith.constant 304 : index
      %swap3A_644 = tpu.vector_load %arg10[%swap3A_643] {strides = array<i32>} : memref<512xi32, #tpu.memory_space<vmem>>, vector<16xi32>,
      %swap3A_645 = vector.shape_cast %swap3A_644 : vector<16xi32> to vector<16xi32>
      %swap3A_646 = vector.shape_cast %add3A_642 : vector<16xi32> to vector<16xi32>
      tpu.vector_store %arg10[%swap3A_643], %swap3A_646 {strides = array<i32>} : memref<512xi32, #tpu.memory_space<vmem>>, vector<16xi32>,
      %get3A_647 = arith.constant 320 : index
      %get3A_648 = tpu.vector_load %arg6[%get3A_647] {strides = array<i32>} : memref<512xi32, #tpu.memory_space<vmem>>, vector<16xi32>,
      %get3A_649 = vector.shape_cast %get3A_648 : vector<16xi32> to vector<16xi32>
      %add3A_650 = arith.constant 1 : i32
      %add3A_651 = vector.broadcast %add3A_650 : i32 to vector<16xi32>
      %add3A_652 = arith.addi %get3A_649, %add3A_651 : vector<16xi32>
      %swap3A_653 = arith.constant 320 : index
      %swap3A_654 = tpu.vector_load %arg7[%swap3A_653] {strides = array<i32>} : memref<512xi32, #tpu.memory_space<vmem>>, vector<16xi32>,
      %swap3A_655 = vector.shape_cast %swap3A_654 : vector<16xi32> to vector<16xi32>
      %swap3A_656 = vector.shape_cast %add3A_652 : vector<16xi32> to vector<16xi32>
      tpu.vector_store %arg7[%swap3A_653], %swap3A_656 {strides = array<i32>} : memref<512xi32, #tpu.memory_space<vmem>>, vector<16xi32>,
      %add3A_657 = arith.constant 2 : i32
      %add3A_658 = vector.broadcast %add3A_657 : i32 to vector<16xi32>
      %add3A_659 = arith.addi %get3A_649, %add3A_658 : vector<16xi32>
      %swap3A_660 = arith.constant 320 : index
      %swap3A_661 = tpu.vector_load %arg8[%swap3A_660] {strides = array<i32>} : memref<512xi32, #tpu.memory_space<vmem>>, vector<16xi32>,
      %swap3A_662 = vector.shape_cast %swap3A_661 : vector<16xi32> to vector<16xi32>
      %swap3A_663 = vector.shape_cast %add3A_659 : vector<16xi32> to vector<16xi32>
      tpu.vector_store %arg8[%swap3A_660], %swap3A_663 {strides = array<i32>} : memref<512xi32, #tpu.memory_space<vmem>>, vector<16xi32>,
      %add3A_664 = arith.constant 3 : i32
      %add3A_665 = vector.broadcast %add3A_664 : i32 to vector<16xi32>
      %add3A_666 = arith.addi %get3A_649, %add3A_665 : vector<16xi32>
      %swap3A_667 = arith.constant 320 : index
      %swap3A_668 = tpu.vector_load %arg9[%swap3A_667] {strides = array<i32>} : memref<512xi32, #tpu.memory_space<vmem>>, vector<16xi32>,
      %swap3A_669 = vector.shape_cast %swap3A_668 : vector<16xi32> to vector<16xi32>
      %swap3A_670 = vector.shape_cast %add3A_666 : vector<16xi32> to vector<16xi32>
      tpu.vector_store %arg9[%swap3A_667], %swap3A_670 {strides = array<i32>} : memref<512xi32, #tpu.memory_space<vmem>>, vector<16xi32>,
      %add3A_671 = arith.constant 4 : i32
      %add3A_672 = vector.broadcast %add3A_671 : i32 to vector<16xi32>
      %add3A_673 = arith.addi %get3A_649, %add3A_672 : vector<16xi32>
      %swap3A_674 = arith.constant 320 : index
      %swap3A_675 = tpu.vector_load %arg10[%swap3A_674] {strides = array<i32>} : memref<512xi32, #tpu.memory_space<vmem>>, vector<16xi32>,
      %swap3A_676 = vector.shape_cast %swap3A_675 : vector<16xi32> to vector<16xi32>
      %swap3A_677 = vector.shape_cast %add3A_673 : vector<16xi32> to vector<16xi32>
      tpu.vector_store %arg10[%swap3A_674], %swap3A_677 {strides = array<i32>} : memref<512xi32, #tpu.memory_space<vmem>>, vector<16xi32>,
      %get3A_678 = arith.constant 336 : index
      %get3A_679 = tpu.vector_load %arg6[%get3A_678] {strides = array<i32>} : memref<512xi32, #tpu.memory_space<vmem>>, vector<16xi32>,
      %get3A_680 = vector.shape_cast %get3A_679 : vector<16xi32> to vector<16xi32>
      %add3A_681 = arith.constant 1 : i32
      %add3A_682 = vector.broadcast %add3A_681 : i32 to vector<16xi32>
      %add3A_683 = arith.addi %get3A_680, %add3A_682 : vector<16xi32>
      %swap3A_684 = arith.constant 336 : index
      %swap3A_685 = tpu.vector_load %arg7[%swap3A_684] {strides = array<i32>} : memref<512xi32, #tpu.memory_space<vmem>>, vector<16xi32>,
      %swap3A_686 = vector.shape_cast %swap3A_685 : vector<16xi32> to vector<16xi32>
      %swap3A_687 = vector.shape_cast %add3A_683 : vector<16xi32> to vector<16xi32>
      tpu.vector_store %arg7[%swap3A_684], %swap3A_687 {strides = array<i32>} : memref<512xi32, #tpu.memory_space<vmem>>, vector<16xi32>,
      %add3A_688 = arith.constant 2 : i32
      %add3A_689 = vector.broadcast %add3A_688 : i32 to vector<16xi32>
      %add3A_690 = arith.addi %get3A_680, %add3A_689 : vector<16xi32>
      %swap3A_691 = arith.constant 336 : index
      %swap3A_692 = tpu.vector_load %arg8[%swap3A_691] {strides = array<i32>} : memref<512xi32, #tpu.memory_space<vmem>>, vector<16xi32>,
      %swap3A_693 = vector.shape_cast %swap3A_692 : vector<16xi32> to vector<16xi32>
      %swap3A_694 = vector.shape_cast %add3A_690 : vector<16xi32> to vector<16xi32>
      tpu.vector_store %arg8[%swap3A_691], %swap3A_694 {strides = array<i32>} : memref<512xi32, #tpu.memory_space<vmem>>, vector<16xi32>,
      %add3A_695 = arith.constant 3 : i32
      %add3A_696 = vector.broadcast %add3A_695 : i32 to vector<16xi32>
      %add3A_697 = arith.addi %get3A_680, %add3A_696 : vector<16xi32>
      %swap3A_698 = arith.constant 336 : index
      %swap3A_699 = tpu.vector_load %arg9[%swap3A_698] {strides = array<i32>} : memref<512xi32, #tpu.memory_space<vmem>>, vector<16xi32>,
      %swap3A_700 = vector.shape_cast %swap3A_699 : vector<16xi32> to vector<16xi32>
      %swap3A_701 = vector.shape_cast %add3A_697 : vector<16xi32> to vector<16xi32>
      tpu.vector_store %arg9[%swap3A_698], %swap3A_701 {strides = array<i32>} : memref<512xi32, #tpu.memory_space<vmem>>, vector<16xi32>,
      %add3A_702 = arith.constant 4 : i32
      %add3A_703 = vector.broadcast %add3A_702 : i32 to vector<16xi32>
      %add3A_704 = arith.addi %get3A_680, %add3A_703 : vector<16xi32>
      %swap3A_705 = arith.constant 336 : index
      %swap3A_706 = tpu.vector_load %arg10[%swap3A_705] {strides = array<i32>} : memref<512xi32, #tpu.memory_space<vmem>>, vector<16xi32>,
      %swap3A_707 = vector.shape_cast %swap3A_706 : vector<16xi32> to vector<16xi32>
      %swap3A_708 = vector.shape_cast %add3A_704 : vector<16xi32> to vector<16xi32>
      tpu.vector_store %arg10[%swap3A_705], %swap3A_708 {strides = array<i32>} : memref<512xi32, #tpu.memory_space<vmem>>, vector<16xi32>,
      %get3A_709 = arith.constant 352 : index
      %get3A_710 = tpu.vector_load %arg6[%get3A_709] {strides = array<i32>} : memref<512xi32, #tpu.memory_space<vmem>>, vector<16xi32>,
      %get3A_711 = vector.shape_cast %get3A_710 : vector<16xi32> to vector<16xi32>
      %add3A_712 = arith.constant 1 : i32
      %add3A_713 = vector.broadcast %add3A_712 : i32 to vector<16xi32>
      %add3A_714 = arith.addi %get3A_711, %add3A_713 : vector<16xi32>
      %swap3A_715 = arith.constant 352 : index
      %swap3A_716 = tpu.vector_load %arg7[%swap3A_715] {strides = array<i32>} : memref<512xi32, #tpu.memory_space<vmem>>, vector<16xi32>,
      %swap3A_717 = vector.shape_cast %swap3A_716 : vector<16xi32> to vector<16xi32>
      %swap3A_718 = vector.shape_cast %add3A_714 : vector<16xi32> to vector<16xi32>
      tpu.vector_store %arg7[%swap3A_715], %swap3A_718 {strides = array<i32>} : memref<512xi32, #tpu.memory_space<vmem>>, vector<16xi32>,
      %add3A_719 = arith.constant 2 : i32
      %add3A_720 = vector.broadcast %add3A_719 : i32 to vector<16xi32>
      %add3A_721 = arith.addi %get3A_711, %add3A_720 : vector<16xi32>
      %swap3A_722 = arith.constant 352 : index
      %swap3A_723 = tpu.vector_load %arg8[%swap3A_722] {strides = array<i32>} : memref<512xi32, #tpu.memory_space<vmem>>, vector<16xi32>,
      %swap3A_724 = vector.shape_cast %swap3A_723 : vector<16xi32> to vector<16xi32>
      %swap3A_725 = vector.shape_cast %add3A_721 : vector<16xi32> to vector<16xi32>
      tpu.vector_store %arg8[%swap3A_722], %swap3A_725 {strides = array<i32>} : memref<512xi32, #tpu.memory_space<vmem>>, vector<16xi32>,
      %add3A_726 = arith.constant 3 : i32
      %add3A_727 = vector.broadcast %add3A_726 : i32 to vector<16xi32>
      %add3A_728 = arith.addi %get3A_711, %add3A_727 : vector<16xi32>
      %swap3A_729 = arith.constant 352 : index
      %swap3A_730 = tpu.vector_load %arg9[%swap3A_729] {strides = array<i32>} : memref<512xi32, #tpu.memory_space<vmem>>, vector<16xi32>,
      %swap3A_731 = vector.shape_cast %swap3A_730 : vector<16xi32> to vector<16xi32>
      %swap3A_732 = vector.shape_cast %add3A_728 : vector<16xi32> to vector<16xi32>
      tpu.vector_store %arg9[%swap3A_729], %swap3A_732 {strides = array<i32>} : memref<512xi32, #tpu.memory_space<vmem>>, vector<16xi32>,
      %add3A_733 = arith.constant 4 : i32
      %add3A_734 = vector.broadcast %add3A_733 : i32 to vector<16xi32>
      %add3A_735 = arith.addi %get3A_711, %add3A_734 : vector<16xi32>
      %swap3A_736 = arith.constant 352 : index
      %swap3A_737 = tpu.vector_load %arg10[%swap3A_736] {strides = array<i32>} : memref<512xi32, #tpu.memory_space<vmem>>, vector<16xi32>,
      %swap3A_738 = vector.shape_cast %swap3A_737 : vector<16xi32> to vector<16xi32>
      %swap3A_739 = vector.shape_cast %add3A_735 : vector<16xi32> to vector<16xi32>
      tpu.vector_store %arg10[%swap3A_736], %swap3A_739 {strides = array<i32>} : memref<512xi32, #tpu.memory_space<vmem>>, vector<16xi32>,
      %get3A_740 = arith.constant 368 : index
      %get3A_741 = tpu.vector_load %arg6[%get3A_740] {strides = array<i32>} : memref<512xi32, #tpu.memory_space<vmem>>, vector<16xi32>,
      %get3A_742 = vector.shape_cast %get3A_741 : vector<16xi32> to vector<16xi32>
      %add3A_743 = arith.constant 1 : i32
      %add3A_744 = vector.broadcast %add3A_743 : i32 to vector<16xi32>
      %add3A_745 = arith.addi %get3A_742, %add3A_744 : vector<16xi32>
      %swap3A_746 = arith.constant 368 : index
      %swap3A_747 = tpu.vector_load %arg7[%swap3A_746] {strides = array<i32>} : memref<512xi32, #tpu.memory_space<vmem>>, vector<16xi32>,
      %swap3A_748 = vector.shape_cast %swap3A_747 : vector<16xi32> to vector<16xi32>
      %swap3A_749 = vector.shape_cast %add3A_745 : vector<16xi32> to vector<16xi32>
      tpu.vector_store %arg7[%swap3A_746], %swap3A_749 {strides = array<i32>} : memref<512xi32, #tpu.memory_space<vmem>>, vector<16xi32>,
      %add3A_750 = arith.constant 2 : i32
      %add3A_751 = vector.broadcast %add3A_750 : i32 to vector<16xi32>
      %add3A_752 = arith.addi %get3A_742, %add3A_751 : vector<16xi32>
      %swap3A_753 = arith.constant 368 : index
      %swap3A_754 = tpu.vector_load %arg8[%swap3A_753] {strides = array<i32>} : memref<512xi32, #tpu.memory_space<vmem>>, vector<16xi32>,
      %swap3A_755 = vector.shape_cast %swap3A_754 : vector<16xi32> to vector<16xi32>
      %swap3A_756 = vector.shape_cast %add3A_752 : vector<16xi32> to vector<16xi32>
      tpu.vector_store %arg8[%swap3A_753], %swap3A_756 {strides = array<i32>} : memref<512xi32, #tpu.memory_space<vmem>>, vector<16xi32>,
      %add3A_757 = arith.constant 3 : i32
      %add3A_758 = vector.broadcast %add3A_757 : i32 to vector<16xi32>
      %add3A_759 = arith.addi %get3A_742, %add3A_758 : vector<16xi32>
      %swap3A_760 = arith.constant 368 : index
      %swap3A_761 = tpu.vector_load %arg9[%swap3A_760] {strides = array<i32>} : memref<512xi32, #tpu.memory_space<vmem>>, vector<16xi32>,
      %swap3A_762 = vector.shape_cast %swap3A_761 : vector<16xi32> to vector<16xi32>
      %swap3A_763 = vector.shape_cast %add3A_759 : vector<16xi32> to vector<16xi32>
      tpu.vector_store %arg9[%swap3A_760], %swap3A_763 {strides = array<i32>} : memref<512xi32, #tpu.memory_space<vmem>>, vector<16xi32>,
      %add3A_764 = arith.constant 4 : i32
      %add3A_765 = vector.broadcast %add3A_764 : i32 to vector<16xi32>
      %add3A_766 = arith.addi %get3A_742, %add3A_765 : vector<16xi32>
      %swap3A_767 = arith.constant 368 : index
      %swap3A_768 = tpu.vector_load %arg10[%swap3A_767] {strides = array<i32>} : memref<512xi32, #tpu.memory_space<vmem>>, vector<16xi32>,
      %swap3A_769 = vector.shape_cast %swap3A_768 : vector<16xi32> to vector<16xi32>
      %swap3A_770 = vector.shape_cast %add3A_766 : vector<16xi32> to vector<16xi32>
      tpu.vector_store %arg10[%swap3A_767], %swap3A_770 {strides = array<i32>} : memref<512xi32, #tpu.memory_space<vmem>>, vector<16xi32>,
      %get3A_771 = arith.constant 384 : index
      %get3A_772 = tpu.vector_load %arg6[%get3A_771] {strides = array<i32>} : memref<512xi32, #tpu.memory_space<vmem>>, vector<16xi32>,
      %get3A_773 = vector.shape_cast %get3A_772 : vector<16xi32> to vector<16xi32>
      %add3A_774 = arith.constant 1 : i32
      %add3A_775 = vector.broadcast %add3A_774 : i32 to vector<16xi32>
      %add3A_776 = arith.addi %get3A_773, %add3A_775 : vector<16xi32>
      %swap3A_777 = arith.constant 384 : index
      %swap3A_778 = tpu.vector_load %arg7[%swap3A_777] {strides = array<i32>} : memref<512xi32, #tpu.memory_space<vmem>>, vector<16xi32>,
      %swap3A_779 = vector.shape_cast %swap3A_778 : vector<16xi32> to vector<16xi32>
      %swap3A_780 = vector.shape_cast %add3A_776 : vector<16xi32> to vector<16xi32>
      tpu.vector_store %arg7[%swap3A_777], %swap3A_780 {strides = array<i32>} : memref<512xi32, #tpu.memory_space<vmem>>, vector<16xi32>,
      %add3A_781 = arith.constant 2 : i32
      %add3A_782 = vector.broadcast %add3A_781 : i32 to vector<16xi32>
      %add3A_783 = arith.addi %get3A_773, %add3A_782 : vector<16xi32>
      %swap3A_784 = arith.constant 384 : index
      %swap3A_785 = tpu.vector_load %arg8[%swap3A_784] {strides = array<i32>} : memref<512xi32, #tpu.memory_space<vmem>>, vector<16xi32>,
      %swap3A_786 = vector.shape_cast %swap3A_785 : vector<16xi32> to vector<16xi32>
      %swap3A_787 = vector.shape_cast %add3A_783 : vector<16xi32> to vector<16xi32>
      tpu.vector_store %arg8[%swap3A_784], %swap3A_787 {strides = array<i32>} : memref<512xi32, #tpu.memory_space<vmem>>, vector<16xi32>,
      %add3A_788 = arith.constant 3 : i32
      %add3A_789 = vector.broadcast %add3A_788 : i32 to vector<16xi32>
      %add3A_790 = arith.addi %get3A_773, %add3A_789 : vector<16xi32>
      %swap3A_791 = arith.constant 384 : index
      %swap3A_792 = tpu.vector_load %arg9[%swap3A_791] {strides = array<i32>} : memref<512xi32, #tpu.memory_space<vmem>>, vector<16xi32>,
      %swap3A_793 = vector.shape_cast %swap3A_792 : vector<16xi32> to vector<16xi32>
      %swap3A_794 = vector.shape_cast %add3A_790 : vector<16xi32> to vector<16xi32>
      tpu.vector_store %arg9[%swap3A_791], %swap3A_794 {strides = array<i32>} : memref<512xi32, #tpu.memory_space<vmem>>, vector<16xi32>,
      %add3A_795 = arith.constant 4 : i32
      %add3A_796 = vector.broadcast %add3A_795 : i32 to vector<16xi32>
      %add3A_797 = arith.addi %get3A_773, %add3A_796 : vector<16xi32>
      %swap3A_798 = arith.constant 384 : index
      %swap3A_799 = tpu.vector_load %arg10[%swap3A_798] {strides = array<i32>} : memref<512xi32, #tpu.memory_space<vmem>>, vector<16xi32>,
      %swap3A_800 = vector.shape_cast %swap3A_799 : vector<16xi32> to vector<16xi32>
      %swap3A_801 = vector.shape_cast %add3A_797 : vector<16xi32> to vector<16xi32>
      tpu.vector_store %arg10[%swap3A_798], %swap3A_801 {strides = array<i32>} : memref<512xi32, #tpu.memory_space<vmem>>, vector<16xi32>,
      %get3A_802 = arith.constant 400 : index
      %get3A_803 = tpu.vector_load %arg6[%get3A_802] {strides = array<i32>} : memref<512xi32, #tpu.memory_space<vmem>>, vector<16xi32>,
      %get3A_804 = vector.shape_cast %get3A_803 : vector<16xi32> to vector<16xi32>
      %add3A_805 = arith.constant 1 : i32
      %add3A_806 = vector.broadcast %add3A_805 : i32 to vector<16xi32>
      %add3A_807 = arith.addi %get3A_804, %add3A_806 : vector<16xi32>
      %swap3A_808 = arith.constant 400 : index
      %swap3A_809 = tpu.vector_load %arg7[%swap3A_808] {strides = array<i32>} : memref<512xi32, #tpu.memory_space<vmem>>, vector<16xi32>,
      %swap3A_810 = vector.shape_cast %swap3A_809 : vector<16xi32> to vector<16xi32>
      %swap3A_811 = vector.shape_cast %add3A_807 : vector<16xi32> to vector<16xi32>
      tpu.vector_store %arg7[%swap3A_808], %swap3A_811 {strides = array<i32>} : memref<512xi32, #tpu.memory_space<vmem>>, vector<16xi32>,
      %add3A_812 = arith.constant 2 : i32
      %add3A_813 = vector.broadcast %add3A_812 : i32 to vector<16xi32>
      %add3A_814 = arith.addi %get3A_804, %add3A_813 : vector<16xi32>
      %swap3A_815 = arith.constant 400 : index
      %swap3A_816 = tpu.vector_load %arg8[%swap3A_815] {strides = array<i32>} : memref<512xi32, #tpu.memory_space<vmem>>, vector<16xi32>,
      %swap3A_817 = vector.shape_cast %swap3A_816 : vector<16xi32> to vector<16xi32>
      %swap3A_818 = vector.shape_cast %add3A_814 : vector<16xi32> to vector<16xi32>
      tpu.vector_store %arg8[%swap3A_815], %swap3A_818 {strides = array<i32>} : memref<512xi32, #tpu.memory_space<vmem>>, vector<16xi32>,
      %add3A_819 = arith.constant 3 : i32
      %add3A_820 = vector.broadcast %add3A_819 : i32 to vector<16xi32>
      %add3A_821 = arith.addi %get3A_804, %add3A_820 : vector<16xi32>
      %swap3A_822 = arith.constant 400 : index
      %swap3A_823 = tpu.vector_load %arg9[%swap3A_822] {strides = array<i32>} : memref<512xi32, #tpu.memory_space<vmem>>, vector<16xi32>,
      %swap3A_824 = vector.shape_cast %swap3A_823 : vector<16xi32> to vector<16xi32>
      %swap3A_825 = vector.shape_cast %add3A_821 : vector<16xi32> to vector<16xi32>
      tpu.vector_store %arg9[%swap3A_822], %swap3A_825 {strides = array<i32>} : memref<512xi32, #tpu.memory_space<vmem>>, vector<16xi32>,
      %add3A_826 = arith.constant 4 : i32
      %add3A_827 = vector.broadcast %add3A_826 : i32 to vector<16xi32>
      %add3A_828 = arith.addi %get3A_804, %add3A_827 : vector<16xi32>
      %swap3A_829 = arith.constant 400 : index
      %swap3A_830 = tpu.vector_load %arg10[%swap3A_829] {strides = array<i32>} : memref<512xi32, #tpu.memory_space<vmem>>, vector<16xi32>,
      %swap3A_831 = vector.shape_cast %swap3A_830 : vector<16xi32> to vector<16xi32>
      %swap3A_832 = vector.shape_cast %add3A_828 : vector<16xi32> to vector<16xi32>
      tpu.vector_store %arg10[%swap3A_829], %swap3A_832 {strides = array<i32>} : memref<512xi32, #tpu.memory_space<vmem>>, vector<16xi32>,
      %get3A_833 = arith.constant 416 : index
      %get3A_834 = tpu.vector_load %arg6[%get3A_833] {strides = array<i32>} : memref<512xi32, #tpu.memory_space<vmem>>, vector<16xi32>,
      %get3A_835 = vector.shape_cast %get3A_834 : vector<16xi32> to vector<16xi32>
      %add3A_836 = arith.constant 1 : i32
      %add3A_837 = vector.broadcast %add3A_836 : i32 to vector<16xi32>
      %add3A_838 = arith.addi %get3A_835, %add3A_837 : vector<16xi32>
      %swap3A_839 = arith.constant 416 : index
      %swap3A_840 = tpu.vector_load %arg7[%swap3A_839] {strides = array<i32>} : memref<512xi32, #tpu.memory_space<vmem>>, vector<16xi32>,
      %swap3A_841 = vector.shape_cast %swap3A_840 : vector<16xi32> to vector<16xi32>
      %swap3A_842 = vector.shape_cast %add3A_838 : vector<16xi32> to vector<16xi32>
      tpu.vector_store %arg7[%swap3A_839], %swap3A_842 {strides = array<i32>} : memref<512xi32, #tpu.memory_space<vmem>>, vector<16xi32>,
      %add3A_843 = arith.constant 2 : i32
      %add3A_844 = vector.broadcast %add3A_843 : i32 to vector<16xi32>
      %add3A_845 = arith.addi %get3A_835, %add3A_844 : vector<16xi32>
      %swap3A_846 = arith.constant 416 : index
      %swap3A_847 = tpu.vector_load %arg8[%swap3A_846] {strides = array<i32>} : memref<512xi32, #tpu.memory_space<vmem>>, vector<16xi32>,
      %swap3A_848 = vector.shape_cast %swap3A_847 : vector<16xi32> to vector<16xi32>
      %swap3A_849 = vector.shape_cast %add3A_845 : vector<16xi32> to vector<16xi32>
      tpu.vector_store %arg8[%swap3A_846], %swap3A_849 {strides = array<i32>} : memref<512xi32, #tpu.memory_space<vmem>>, vector<16xi32>,
      %add3A_850 = arith.constant 3 : i32
      %add3A_851 = vector.broadcast %add3A_850 : i32 to vector<16xi32>
      %add3A_852 = arith.addi %get3A_835, %add3A_851 : vector<16xi32>
      %swap3A_853 = arith.constant 416 : index
      %swap3A_854 = tpu.vector_load %arg9[%swap3A_853] {strides = array<i32>} : memref<512xi32, #tpu.memory_space<vmem>>, vector<16xi32>,
      %swap3A_855 = vector.shape_cast %swap3A_854 : vector<16xi32> to vector<16xi32>
      %swap3A_856 = vector.shape_cast %add3A_852 : vector<16xi32> to vector<16xi32>
      tpu.vector_store %arg9[%swap3A_853], %swap3A_856 {strides = array<i32>} : memref<512xi32, #tpu.memory_space<vmem>>, vector<16xi32>,
      %add3A_857 = arith.constant 4 : i32
      %add3A_858 = vector.broadcast %add3A_857 : i32 to vector<16xi32>
      %add3A_859 = arith.addi %get3A_835, %add3A_858 : vector<16xi32>
      %swap3A_860 = arith.constant 416 : index
      %swap3A_861 = tpu.vector_load %arg10[%swap3A_860] {strides = array<i32>} : memref<512xi32, #tpu.memory_space<vmem>>, vector<16xi32>,
      %swap3A_862 = vector.shape_cast %swap3A_861 : vector<16xi32> to vector<16xi32>
      %swap3A_863 = vector.shape_cast %add3A_859 : vector<16xi32> to vector<16xi32>
      tpu.vector_store %arg10[%swap3A_860], %swap3A_863 {strides = array<i32>} : memref<512xi32, #tpu.memory_space<vmem>>, vector<16xi32>,
      %get3A_864 = arith.constant 432 : index
      %get3A_865 = tpu.vector_load %arg6[%get3A_864] {strides = array<i32>} : memref<512xi32, #tpu.memory_space<vmem>>, vector<16xi32>,
      %get3A_866 = vector.shape_cast %get3A_865 : vector<16xi32> to vector<16xi32>
      %add3A_867 = arith.constant 1 : i32
      %add3A_868 = vector.broadcast %add3A_867 : i32 to vector<16xi32>
      %add3A_869 = arith.addi %get3A_866, %add3A_868 : vector<16xi32>
      %swap3A_870 = arith.constant 432 : index
      %swap3A_871 = tpu.vector_load %arg7[%swap3A_870] {strides = array<i32>} : memref<512xi32, #tpu.memory_space<vmem>>, vector<16xi32>,
      %swap3A_872 = vector.shape_cast %swap3A_871 : vector<16xi32> to vector<16xi32>
      %swap3A_873 = vector.shape_cast %add3A_869 : vector<16xi32> to vector<16xi32>
      tpu.vector_store %arg7[%swap3A_870], %swap3A_873 {strides = array<i32>} : memref<512xi32, #tpu.memory_space<vmem>>, vector<16xi32>,
      %add3A_874 = arith.constant 2 : i32
      %add3A_875 = vector.broadcast %add3A_874 : i32 to vector<16xi32>
      %add3A_876 = arith.addi %get3A_866, %add3A_875 : vector<16xi32>
      %swap3A_877 = arith.constant 432 : index
      %swap3A_878 = tpu.vector_load %arg8[%swap3A_877] {strides = array<i32>} : memref<512xi32, #tpu.memory_space<vmem>>, vector<16xi32>,
      %swap3A_879 = vector.shape_cast %swap3A_878 : vector<16xi32> to vector<16xi32>
      %swap3A_880 = vector.shape_cast %add3A_876 : vector<16xi32> to vector<16xi32>
      tpu.vector_store %arg8[%swap3A_877], %swap3A_880 {strides = array<i32>} : memref<512xi32, #tpu.memory_space<vmem>>, vector<16xi32>,
      %add3A_881 = arith.constant 3 : i32
      %add3A_882 = vector.broadcast %add3A_881 : i32 to vector<16xi32>
      %add3A_883 = arith.addi %get3A_866, %add3A_882 : vector<16xi32>
      %swap3A_884 = arith.constant 432 : index
      %swap3A_885 = tpu.vector_load %arg9[%swap3A_884] {strides = array<i32>} : memref<512xi32, #tpu.memory_space<vmem>>, vector<16xi32>,
      %swap3A_886 = vector.shape_cast %swap3A_885 : vector<16xi32> to vector<16xi32>
      %swap3A_887 = vector.shape_cast %add3A_883 : vector<16xi32> to vector<16xi32>
      tpu.vector_store %arg9[%swap3A_884], %swap3A_887 {strides = array<i32>} : memref<512xi32, #tpu.memory_space<vmem>>, vector<16xi32>,
      %add3A_888 = arith.constant 4 : i32
      %add3A_889 = vector.broadcast %add3A_888 : i32 to vector<16xi32>
      %add3A_890 = arith.addi %get3A_866, %add3A_889 : vector<16xi32>
      %swap3A_891 = arith.constant 432 : index
      %swap3A_892 = tpu.vector_load %arg10[%swap3A_891] {strides = array<i32>} : memref<512xi32, #tpu.memory_space<vmem>>, vector<16xi32>,
      %swap3A_893 = vector.shape_cast %swap3A_892 : vector<16xi32> to vector<16xi32>
      %swap3A_894 = vector.shape_cast %add3A_890 : vector<16xi32> to vector<16xi32>
      tpu.vector_store %arg10[%swap3A_891], %swap3A_894 {strides = array<i32>} : memref<512xi32, #tpu.memory_space<vmem>>, vector<16xi32>,
      %get3A_895 = arith.constant 448 : index
      %get3A_896 = tpu.vector_load %arg6[%get3A_895] {strides = array<i32>} : memref<512xi32, #tpu.memory_space<vmem>>, vector<16xi32>,
      %get3A_897 = vector.shape_cast %get3A_896 : vector<16xi32> to vector<16xi32>
      %add3A_898 = arith.constant 1 : i32
      %add3A_899 = vector.broadcast %add3A_898 : i32 to vector<16xi32>
      %add3A_900 = arith.addi %get3A_897, %add3A_899 : vector<16xi32>
      %swap3A_901 = arith.constant 448 : index
      %swap3A_902 = tpu.vector_load %arg7[%swap3A_901] {strides = array<i32>} : memref<512xi32, #tpu.memory_space<vmem>>, vector<16xi32>,
      %swap3A_903 = vector.shape_cast %swap3A_902 : vector<16xi32> to vector<16xi32>
      %swap3A_904 = vector.shape_cast %add3A_900 : vector<16xi32> to vector<16xi32>
      tpu.vector_store %arg7[%swap3A_901], %swap3A_904 {strides = array<i32>} : memref<512xi32, #tpu.memory_space<vmem>>, vector<16xi32>,
      %add3A_905 = arith.constant 2 : i32
      %add3A_906 = vector.broadcast %add3A_905 : i32 to vector<16xi32>
      %add3A_907 = arith.addi %get3A_897, %add3A_906 : vector<16xi32>
      %swap3A_908 = arith.constant 448 : index
      %swap3A_909 = tpu.vector_load %arg8[%swap3A_908] {strides = array<i32>} : memref<512xi32, #tpu.memory_space<vmem>>, vector<16xi32>,
      %swap3A_910 = vector.shape_cast %swap3A_909 : vector<16xi32> to vector<16xi32>
      %swap3A_911 = vector.shape_cast %add3A_907 : vector<16xi32> to vector<16xi32>
      tpu.vector_store %arg8[%swap3A_908], %swap3A_911 {strides = array<i32>} : memref<512xi32, #tpu.memory_space<vmem>>, vector<16xi32>,
      %add3A_912 = arith.constant 3 : i32
      %add3A_913 = vector.broadcast %add3A_912 : i32 to vector<16xi32>
      %add3A_914 = arith.addi %get3A_897, %add3A_913 : vector<16xi32>
      %swap3A_915 = arith.constant 448 : index
      %swap3A_916 = tpu.vector_load %arg9[%swap3A_915] {strides = array<i32>} : memref<512xi32, #tpu.memory_space<vmem>>, vector<16xi32>,
      %swap3A_917 = vector.shape_cast %swap3A_916 : vector<16xi32> to vector<16xi32>
      %swap3A_918 = vector.shape_cast %add3A_914 : vector<16xi32> to vector<16xi32>
      tpu.vector_store %arg9[%swap3A_915], %swap3A_918 {strides = array<i32>} : memref<512xi32, #tpu.memory_space<vmem>>, vector<16xi32>,
      %add3A_919 = arith.constant 4 : i32
      %add3A_920 = vector.broadcast %add3A_919 : i32 to vector<16xi32>
      %add3A_921 = arith.addi %get3A_897, %add3A_920 : vector<16xi32>
      %swap3A_922 = arith.constant 448 : index
      %swap3A_923 = tpu.vector_load %arg10[%swap3A_922] {strides = array<i32>} : memref<512xi32, #tpu.memory_space<vmem>>, vector<16xi32>,
      %swap3A_924 = vector.shape_cast %swap3A_923 : vector<16xi32> to vector<16xi32>
      %swap3A_925 = vector.shape_cast %add3A_921 : vector<16xi32> to vector<16xi32>
      tpu.vector_store %arg10[%swap3A_922], %swap3A_925 {strides = array<i32>} : memref<512xi32, #tpu.memory_space<vmem>>, vector<16xi32>,
      %get3A_926 = arith.constant 464 : index
      %get3A_927 = tpu.vector_load %arg6[%get3A_926] {strides = array<i32>} : memref<512xi32, #tpu.memory_space<vmem>>, vector<16xi32>,
      %get3A_928 = vector.shape_cast %get3A_927 : vector<16xi32> to vector<16xi32>
      %add3A_929 = arith.constant 1 : i32
      %add3A_930 = vector.broadcast %add3A_929 : i32 to vector<16xi32>
      %add3A_931 = arith.addi %get3A_928, %add3A_930 : vector<16xi32>
      %swap3A_932 = arith.constant 464 : index
      %swap3A_933 = tpu.vector_load %arg7[%swap3A_932] {strides = array<i32>} : memref<512xi32, #tpu.memory_space<vmem>>, vector<16xi32>,
      %swap3A_934 = vector.shape_cast %swap3A_933 : vector<16xi32> to vector<16xi32>
      %swap3A_935 = vector.shape_cast %add3A_931 : vector<16xi32> to vector<16xi32>
      tpu.vector_store %arg7[%swap3A_932], %swap3A_935 {strides = array<i32>} : memref<512xi32, #tpu.memory_space<vmem>>, vector<16xi32>,
      %add3A_936 = arith.constant 2 : i32
      %add3A_937 = vector.broadcast %add3A_936 : i32 to vector<16xi32>
      %add3A_938 = arith.addi %get3A_928, %add3A_937 : vector<16xi32>
      %swap3A_939 = arith.constant 464 : index
      %swap3A_940 = tpu.vector_load %arg8[%swap3A_939] {strides = array<i32>} : memref<512xi32, #tpu.memory_space<vmem>>, vector<16xi32>,
      %swap3A_941 = vector.shape_cast %swap3A_940 : vector<16xi32> to vector<16xi32>
      %swap3A_942 = vector.shape_cast %add3A_938 : vector<16xi32> to vector<16xi32>
      tpu.vector_store %arg8[%swap3A_939], %swap3A_942 {strides = array<i32>} : memref<512xi32, #tpu.memory_space<vmem>>, vector<16xi32>,
      %add3A_943 = arith.constant 3 : i32
      %add3A_944 = vector.broadcast %add3A_943 : i32 to vector<16xi32>
      %add3A_945 = arith.addi %get3A_928, %add3A_944 : vector<16xi32>
      %swap3A_946 = arith.constant 464 : index
      %swap3A_947 = tpu.vector_load %arg9[%swap3A_946] {strides = array<i32>} : memref<512xi32, #tpu.memory_space<vmem>>, vector<16xi32>,
      %swap3A_948 = vector.shape_cast %swap3A_947 : vector<16xi32> to vector<16xi32>
      %swap3A_949 = vector.shape_cast %add3A_945 : vector<16xi32> to vector<16xi32>
      tpu.vector_store %arg9[%swap3A_946], %swap3A_949 {strides = array<i32>} : memref<512xi32, #tpu.memory_space<vmem>>, vector<16xi32>,
      %add3A_950 = arith.constant 4 : i32
      %add3A_951 = vector.broadcast %add3A_950 : i32 to vector<16xi32>
      %add3A_952 = arith.addi %get3A_928, %add3A_951 : vector<16xi32>
      %swap3A_953 = arith.constant 464 : index
      %swap3A_954 = tpu.vector_load %arg10[%swap3A_953] {strides = array<i32>} : memref<512xi32, #tpu.memory_space<vmem>>, vector<16xi32>,
      %swap3A_955 = vector.shape_cast %swap3A_954 : vector<16xi32> to vector<16xi32>
      %swap3A_956 = vector.shape_cast %add3A_952 : vector<16xi32> to vector<16xi32>
      tpu.vector_store %arg10[%swap3A_953], %swap3A_956 {strides = array<i32>} : memref<512xi32, #tpu.memory_space<vmem>>, vector<16xi32>,
      %get3A_957 = arith.constant 480 : index
      %get3A_958 = tpu.vector_load %arg6[%get3A_957] {strides = array<i32>} : memref<512xi32, #tpu.memory_space<vmem>>, vector<16xi32>,
      %get3A_959 = vector.shape_cast %get3A_958 : vector<16xi32> to vector<16xi32>
      %add3A_960 = arith.constant 1 : i32
      %add3A_961 = vector.broadcast %add3A_960 : i32 to vector<16xi32>
      %add3A_962 = arith.addi %get3A_959, %add3A_961 : vector<16xi32>
      %swap3A_963 = arith.constant 480 : index
      %swap3A_964 = tpu.vector_load %arg7[%swap3A_963] {strides = array<i32>} : memref<512xi32, #tpu.memory_space<vmem>>, vector<16xi32>,
      %swap3A_965 = vector.shape_cast %swap3A_964 : vector<16xi32> to vector<16xi32>
      %swap3A_966 = vector.shape_cast %add3A_962 : vector<16xi32> to vector<16xi32>
      tpu.vector_store %arg7[%swap3A_963], %swap3A_966 {strides = array<i32>} : memref<512xi32, #tpu.memory_space<vmem>>, vector<16xi32>,
      %add3A_967 = arith.constant 2 : i32
      %add3A_968 = vector.broadcast %add3A_967 : i32 to vector<16xi32>
      %add3A_969 = arith.addi %get3A_959, %add3A_968 : vector<16xi32>
      %swap3A_970 = arith.constant 480 : index
      %swap3A_971 = tpu.vector_load %arg8[%swap3A_970] {strides = array<i32>} : memref<512xi32, #tpu.memory_space<vmem>>, vector<16xi32>,
      %swap3A_972 = vector.shape_cast %swap3A_971 : vector<16xi32> to vector<16xi32>
      %swap3A_973 = vector.shape_cast %add3A_969 : vector<16xi32> to vector<16xi32>
      tpu.vector_store %arg8[%swap3A_970], %swap3A_973 {strides = array<i32>} : memref<512xi32, #tpu.memory_space<vmem>>, vector<16xi32>,
      %add3A_974 = arith.constant 3 : i32
      %add3A_975 = vector.broadcast %add3A_974 : i32 to vector<16xi32>
      %add3A_976 = arith.addi %get3A_959, %add3A_975 : vector<16xi32>
      %swap3A_977 = arith.constant 480 : index
      %swap3A_978 = tpu.vector_load %arg9[%swap3A_977] {strides = array<i32>} : memref<512xi32, #tpu.memory_space<vmem>>, vector<16xi32>,
      %swap3A_979 = vector.shape_cast %swap3A_978 : vector<16xi32> to vector<16xi32>
      %swap3A_980 = vector.shape_cast %add3A_976 : vector<16xi32> to vector<16xi32>
      tpu.vector_store %arg9[%swap3A_977], %swap3A_980 {strides = array<i32>} : memref<512xi32, #tpu.memory_space<vmem>>, vector<16xi32>,
      %add3A_981 = arith.constant 4 : i32
      %add3A_982 = vector.broadcast %add3A_981 : i32 to vector<16xi32>
      %add3A_983 = arith.addi %get3A_959, %add3A_982 : vector<16xi32>
      %swap3A_984 = arith.constant 480 : index
      %swap3A_985 = tpu.vector_load %arg10[%swap3A_984] {strides = array<i32>} : memref<512xi32, #tpu.memory_space<vmem>>, vector<16xi32>,
      %swap3A_986 = vector.shape_cast %swap3A_985 : vector<16xi32> to vector<16xi32>
      %swap3A_987 = vector.shape_cast %add3A_983 : vector<16xi32> to vector<16xi32>
      tpu.vector_store %arg10[%swap3A_984], %swap3A_987 {strides = array<i32>} : memref<512xi32, #tpu.memory_space<vmem>>, vector<16xi32>,
      %get3A_988 = arith.constant 496 : index
      %get3A_989 = tpu.vector_load %arg6[%get3A_988] {strides = array<i32>} : memref<512xi32, #tpu.memory_space<vmem>>, vector<16xi32>,
      %get3A_990 = vector.shape_cast %get3A_989 : vector<16xi32> to vector<16xi32>
      %add3A_991 = arith.constant 1 : i32
      %add3A_992 = vector.broadcast %add3A_991 : i32 to vector<16xi32>
      %add3A_993 = arith.addi %get3A_990, %add3A_992 : vector<16xi32>
      %swap3A_994 = arith.constant 496 : index
      %swap3A_995 = tpu.vector_load %arg7[%swap3A_994] {strides = array<i32>} : memref<512xi32, #tpu.memory_space<vmem>>, vector<16xi32>,
      %swap3A_996 = vector.shape_cast %swap3A_995 : vector<16xi32> to vector<16xi32>
      %swap3A_997 = vector.shape_cast %add3A_993 : vector<16xi32> to vector<16xi32>
      tpu.vector_store %arg7[%swap3A_994], %swap3A_997 {strides = array<i32>} : memref<512xi32, #tpu.memory_space<vmem>>, vector<16xi32>,
      %add3A_998 = arith.constant 2 : i32
      %add3A_999 = vector.broadcast %add3A_998 : i32 to vector<16xi32>
      %add3A_1000 = arith.addi %get3A_990, %add3A_999 : vector<16xi32>
      %swap3A_1001 = arith.constant 496 : index
      %swap3A_1002 = tpu.vector_load %arg8[%swap3A_1001] {strides = array<i32>} : memref<512xi32, #tpu.memory_space<vmem>>, vector<16xi32>,
      %swap3A_1003 = vector.shape_cast %swap3A_1002 : vector<16xi32> to vector<16xi32>
      %swap3A_1004 = vector.shape_cast %add3A_1000 : vector<16xi32> to vector<16xi32>
      tpu.vector_store %arg8[%swap3A_1001], %swap3A_1004 {strides = array<i32>} : memref<512xi32, #tpu.memory_space<vmem>>, vector<16xi32>,
      %add3A_1005 = arith.constant 3 : i32
      %add3A_1006 = vector.broadcast %add3A_1005 : i32 to vector<16xi32>
      %add3A_1007 = arith.addi %get3A_990, %add3A_1006 : vector<16xi32>
      %swap3A_1008 = arith.constant 496 : index
      %swap3A_1009 = tpu.vector_load %arg9[%swap3A_1008] {strides = array<i32>} : memref<512xi32, #tpu.memory_space<vmem>>, vector<16xi32>,
      %swap3A_1010 = vector.shape_cast %swap3A_1009 : vector<16xi32> to vector<16xi32>
      %swap3A_1011 = vector.shape_cast %add3A_1007 : vector<16xi32> to vector<16xi32>
      tpu.vector_store %arg9[%swap3A_1008], %swap3A_1011 {strides = array<i32>} : memref<512xi32, #tpu.memory_space<vmem>>, vector<16xi32>,
      %add3A_1012 = arith.constant 4 : i32
      %add3A_1013 = vector.broadcast %add3A_1012 : i32 to vector<16xi32>
      %add3A_1014 = arith.addi %get3A_990, %add3A_1013 : vector<16xi32>
      %swap3A_1015 = arith.constant 496 : index
      %swap3A_1016 = tpu.vector_load %arg10[%swap3A_1015] {strides = array<i32>} : memref<512xi32, #tpu.memory_space<vmem>>, vector<16xi32>,
      %swap3A_1017 = vector.shape_cast %swap3A_1016 : vector<16xi32> to vector<16xi32>
      %swap3A_1018 = vector.shape_cast %add3A_1014 : vector<16xi32> to vector<16xi32>
      tpu.vector_store %arg10[%swap3A_1015], %swap3A_1018 {strides = array<i32>} : memref<512xi32, #tpu.memory_space<vmem>>, vector<16xi32>,
      %dma_start3A = arith.constant 0 : i32
      %dma_start3A_1019 = arith.constant 0 : i32
      %dma_start3A_1020 = arith.constant 0 : i32
      %dma_start3A_1021 = tpu.memref_slice %arg11[%dma_start3A, %dma_start3A_1019, %dma_start3A_1020] : memref<5x512x32xf32, #tpu.memory_space<vmem>> -> memref<1x512x32xf32, #tpu.memory_space<vmem>>
      %dma_start3A_1022 = tpu.memref_squeeze %dma_start3A_1021 : memref<1x512x32xf32, #tpu.memory_space<vmem>> -> memref<512x32xf32, #tpu.memory_space<vmem>>
      %dma_start3A_1023 = arith.constant 0 : i32
      %dma_start3A_1024 = arith.constant 0 : i32
      %dma_start3A_1025 = tpu.memref_slice %arg2[%dma_start3A_1023, %dma_start3A_1024] : memref<1000005x32xf32, #tpu.memory_space<hbm>> -> memref<1000005x32xf32, #tpu.memory_space<hbm>>
      tpu.enqueue_indirect_dma source(%dma_start3A_1025 : memref<1000005x32xf32, #tpu.memory_space<hbm>>) target(%dma_start3A_1022 : memref<512x32xf32, #tpu.memory_space<vmem>>) offsets(%arg6 : memref<512xi32, #tpu.memory_space<vmem>>) semaphore(%arg14 : memref<!tpu.dma_semaphore, #tpu.memory_space<semaphore_mem>>)
      %dma_start3A_1026 = arith.constant 1 : i32
      %dma_start3A_1027 = arith.constant 0 : i32
      %dma_start3A_1028 = arith.constant 0 : i32
      %dma_start3A_1029 = tpu.memref_slice %arg11[%dma_start3A_1026, %dma_start3A_1027, %dma_start3A_1028] : memref<5x512x32xf32, #tpu.memory_space<vmem>> -> memref<1x512x32xf32, #tpu.memory_space<vmem>>
      %dma_start3A_1030 = tpu.memref_squeeze %dma_start3A_1029 : memref<1x512x32xf32, #tpu.memory_space<vmem>> -> memref<512x32xf32, #tpu.memory_space<vmem>>
      %dma_start3A_1031 = arith.constant 0 : i32
      %dma_start3A_1032 = arith.constant 0 : i32
      %dma_start3A_1033 = tpu.memref_slice %arg2[%dma_start3A_1031, %dma_start3A_1032] : memref<1000005x32xf32, #tpu.memory_space<hbm>> -> memref<1000005x32xf32, #tpu.memory_space<hbm>>
      tpu.enqueue_indirect_dma source(%dma_start3A_1033 : memref<1000005x32xf32, #tpu.memory_space<hbm>>) target(%dma_start3A_1030 : memref<512x32xf32, #tpu.memory_space<vmem>>) offsets(%arg7 : memref<512xi32, #tpu.memory_space<vmem>>) semaphore(%arg14 : memref<!tpu.dma_semaphore, #tpu.memory_space<semaphore_mem>>)
      %dma_start3A_1034 = arith.constant 2 : i32
      %dma_start3A_1035 = arith.constant 0 : i32
      %dma_start3A_1036 = arith.constant 0 : i32
      %dma_start3A_1037 = tpu.memref_slice %arg11[%dma_start3A_1034, %dma_start3A_1035, %dma_start3A_1036] : memref<5x512x32xf32, #tpu.memory_space<vmem>> -> memref<1x512x32xf32, #tpu.memory_space<vmem>>
      %dma_start3A_1038 = tpu.memref_squeeze %dma_start3A_1037 : memref<1x512x32xf32, #tpu.memory_space<vmem>> -> memref<512x32xf32, #tpu.memory_space<vmem>>
      %dma_start3A_1039 = arith.constant 0 : i32
      %dma_start3A_1040 = arith.constant 0 : i32
      %dma_start3A_1041 = tpu.memref_slice %arg2[%dma_start3A_1039, %dma_start3A_1040] : memref<1000005x32xf32, #tpu.memory_space<hbm>> -> memref<1000005x32xf32, #tpu.memory_space<hbm>>
      tpu.enqueue_indirect_dma source(%dma_start3A_1041 : memref<1000005x32xf32, #tpu.memory_space<hbm>>) target(%dma_start3A_1038 : memref<512x32xf32, #tpu.memory_space<vmem>>) offsets(%arg8 : memref<512xi32, #tpu.memory_space<vmem>>) semaphore(%arg14 : memref<!tpu.dma_semaphore, #tpu.memory_space<semaphore_mem>>)
      %dma_start3A_1042 = arith.constant 3 : i32
      %dma_start3A_1043 = arith.constant 0 : i32
      %dma_start3A_1044 = arith.constant 0 : i32
      %dma_start3A_1045 = tpu.memref_slice %arg11[%dma_start3A_1042, %dma_start3A_1043, %dma_start3A_1044] : memref<5x512x32xf32, #tpu.memory_space<vmem>> -> memref<1x512x32xf32, #tpu.memory_space<vmem>>
      %dma_start3A_1046 = tpu.memref_squeeze %dma_start3A_1045 : memref<1x512x32xf32, #tpu.memory_space<vmem>> -> memref<512x32xf32, #tpu.memory_space<vmem>>
      %dma_start3A_1047 = arith.constant 0 : i32
      %dma_start3A_1048 = arith.constant 0 : i32
      %dma_start3A_1049 = tpu.memref_slice %arg2[%dma_start3A_1047, %dma_start3A_1048] : memref<1000005x32xf32, #tpu.memory_space<hbm>> -> memref<1000005x32xf32, #tpu.memory_space<hbm>>
      tpu.enqueue_indirect_dma source(%dma_start3A_1049 : memref<1000005x32xf32, #tpu.memory_space<hbm>>) target(%dma_start3A_1046 : memref<512x32xf32, #tpu.memory_space<vmem>>) offsets(%arg9 : memref<512xi32, #tpu.memory_space<vmem>>) semaphore(%arg14 : memref<!tpu.dma_semaphore, #tpu.memory_space<semaphore_mem>>)
      %dma_start3A_1050 = arith.constant 4 : i32
      %dma_start3A_1051 = arith.constant 0 : i32
      %dma_start3A_1052 = arith.constant 0 : i32
      %dma_start3A_1053 = tpu.memref_slice %arg11[%dma_start3A_1050, %dma_start3A_1051, %dma_start3A_1052] : memref<5x512x32xf32, #tpu.memory_space<vmem>> -> memref<1x512x32xf32, #tpu.memory_space<vmem>>
      %dma_start3A_1054 = tpu.memref_squeeze %dma_start3A_1053 : memref<1x512x32xf32, #tpu.memory_space<vmem>> -> memref<512x32xf32, #tpu.memory_space<vmem>>
      %dma_start3A_1055 = arith.constant 0 : i32
      %dma_start3A_1056 = arith.constant 0 : i32
      %dma_start3A_1057 = tpu.memref_slice %arg2[%dma_start3A_1055, %dma_start3A_1056] : memref<1000005x32xf32, #tpu.memory_space<hbm>> -> memref<1000005x32xf32, #tpu.memory_space<hbm>>
      tpu.enqueue_indirect_dma source(%dma_start3A_1057 : memref<1000005x32xf32, #tpu.memory_space<hbm>>) target(%dma_start3A_1054 : memref<512x32xf32, #tpu.memory_space<vmem>>) offsets(%arg10 : memref<512xi32, #tpu.memory_space<vmem>>) semaphore(%arg14 : memref<!tpu.dma_semaphore, #tpu.memory_space<semaphore_mem>>)
      %dma_wait3A = arith.constant 0 : i32
      %dma_wait3A_1058 = arith.constant 0 : i32
      %dma_wait3A_1059 = arith.constant 0 : i32
      %dma_wait3A_1060 = tpu.memref_slice %arg11[%dma_wait3A, %dma_wait3A_1058, %dma_wait3A_1059] : memref<5x512x32xf32, #tpu.memory_space<vmem>> -> memref<1x512x32xf32, #tpu.memory_space<vmem>>
      %dma_wait3A_1061 = tpu.memref_squeeze %dma_wait3A_1060 : memref<1x512x32xf32, #tpu.memory_space<vmem>> -> memref<512x32xf32, #tpu.memory_space<vmem>>
      %dma_wait3A_1062 = arith.constant 0 : i32
      %dma_wait3A_1063 = arith.constant 0 : i32
      %dma_wait3A_1064 = tpu.memref_slice %arg2[%dma_wait3A_1062, %dma_wait3A_1063] : memref<1000005x32xf32, #tpu.memory_space<hbm>> -> memref<1000005x32xf32, #tpu.memory_space<hbm>>
      tpu.wait_indirect_dma semaphore(%arg14 : memref<!tpu.dma_semaphore, #tpu.memory_space<semaphore_mem>>) src(%dma_wait3A_1064 : memref<1000005x32xf32, #tpu.memory_space<hbm>>) dst(%dma_wait3A_1061 : memref<512x32xf32, #tpu.memory_space<vmem>>)
      %dma_wait3A_1065 = arith.constant 1 : i32
      %dma_wait3A_1066 = arith.constant 0 : i32
      %dma_wait3A_1067 = arith.constant 0 : i32
      %dma_wait3A_1068 = tpu.memref_slice %arg11[%dma_wait3A_1065, %dma_wait3A_1066, %dma_wait3A_1067] : memref<5x512x32xf32, #tpu.memory_space<vmem>> -> memref<1x512x32xf32, #tpu.memory_space<vmem>>
      %dma_wait3A_1069 = tpu.memref_squeeze %dma_wait3A_1068 : memref<1x512x32xf32, #tpu.memory_space<vmem>> -> memref<512x32xf32, #tpu.memory_space<vmem>>
      %dma_wait3A_1070 = arith.constant 0 : i32
      %dma_wait3A_1071 = arith.constant 0 : i32
      %dma_wait3A_1072 = tpu.memref_slice %arg2[%dma_wait3A_1070, %dma_wait3A_1071] : memref<1000005x32xf32, #tpu.memory_space<hbm>> -> memref<1000005x32xf32, #tpu.memory_space<hbm>>
      tpu.wait_indirect_dma semaphore(%arg14 : memref<!tpu.dma_semaphore, #tpu.memory_space<semaphore_mem>>) src(%dma_wait3A_1072 : memref<1000005x32xf32, #tpu.memory_space<hbm>>) dst(%dma_wait3A_1069 : memref<512x32xf32, #tpu.memory_space<vmem>>)
      %dma_wait3A_1073 = arith.constant 2 : i32
      %dma_wait3A_1074 = arith.constant 0 : i32
      %dma_wait3A_1075 = arith.constant 0 : i32
      %dma_wait3A_1076 = tpu.memref_slice %arg11[%dma_wait3A_1073, %dma_wait3A_1074, %dma_wait3A_1075] : memref<5x512x32xf32, #tpu.memory_space<vmem>> -> memref<1x512x32xf32, #tpu.memory_space<vmem>>
      %dma_wait3A_1077 = tpu.memref_squeeze %dma_wait3A_1076 : memref<1x512x32xf32, #tpu.memory_space<vmem>> -> memref<512x32xf32, #tpu.memory_space<vmem>>
      %dma_wait3A_1078 = arith.constant 0 : i32
      %dma_wait3A_1079 = arith.constant 0 : i32
      %dma_wait3A_1080 = tpu.memref_slice %arg2[%dma_wait3A_1078, %dma_wait3A_1079] : memref<1000005x32xf32, #tpu.memory_space<hbm>> -> memref<1000005x32xf32, #tpu.memory_space<hbm>>
      tpu.wait_indirect_dma semaphore(%arg14 : memref<!tpu.dma_semaphore, #tpu.memory_space<semaphore_mem>>) src(%dma_wait3A_1080 : memref<1000005x32xf32, #tpu.memory_space<hbm>>) dst(%dma_wait3A_1077 : memref<512x32xf32, #tpu.memory_space<vmem>>)
      %dma_wait3A_1081 = arith.constant 3 : i32
      %dma_wait3A_1082 = arith.constant 0 : i32
      %dma_wait3A_1083 = arith.constant 0 : i32
      %dma_wait3A_1084 = tpu.memref_slice %arg11[%dma_wait3A_1081, %dma_wait3A_1082, %dma_wait3A_1083] : memref<5x512x32xf32, #tpu.memory_space<vmem>> -> memref<1x512x32xf32, #tpu.memory_space<vmem>>
      %dma_wait3A_1085 = tpu.memref_squeeze %dma_wait3A_1084 : memref<1x512x32xf32, #tpu.memory_space<vmem>> -> memref<512x32xf32, #tpu.memory_space<vmem>>
      %dma_wait3A_1086 = arith.constant 0 : i32
      %dma_wait3A_1087 = arith.constant 0 : i32
      %dma_wait3A_1088 = tpu.memref_slice %arg2[%dma_wait3A_1086, %dma_wait3A_1087] : memref<1000005x32xf32, #tpu.memory_space<hbm>> -> memref<1000005x32xf32, #tpu.memory_space<hbm>>
      tpu.wait_indirect_dma semaphore(%arg14 : memref<!tpu.dma_semaphore, #tpu.memory_space<semaphore_mem>>) src(%dma_wait3A_1088 : memref<1000005x32xf32, #tpu.memory_space<hbm>>) dst(%dma_wait3A_1085 : memref<512x32xf32, #tpu.memory_space<vmem>>)
      %dma_wait3A_1089 = arith.constant 4 : i32
      %dma_wait3A_1090 = arith.constant 0 : i32
      %dma_wait3A_1091 = arith.constant 0 : i32
      %dma_wait3A_1092 = tpu.memref_slice %arg11[%dma_wait3A_1089, %dma_wait3A_1090, %dma_wait3A_1091] : memref<5x512x32xf32, #tpu.memory_space<vmem>> -> memref<1x512x32xf32, #tpu.memory_space<vmem>>
      %dma_wait3A_1093 = tpu.memref_squeeze %dma_wait3A_1092 : memref<1x512x32xf32, #tpu.memory_space<vmem>> -> memref<512x32xf32, #tpu.memory_space<vmem>>
      %dma_wait3A_1094 = arith.constant 0 : i32
      %dma_wait3A_1095 = arith.constant 0 : i32
      %dma_wait3A_1096 = tpu.memref_slice %arg2[%dma_wait3A_1094, %dma_wait3A_1095] : memref<1000005x32xf32, #tpu.memory_space<hbm>> -> memref<1000005x32xf32, #tpu.memory_space<hbm>>
      tpu.wait_indirect_dma semaphore(%arg14 : memref<!tpu.dma_semaphore, #tpu.memory_space<semaphore_mem>>) src(%dma_wait3A_1096 : memref<1000005x32xf32, #tpu.memory_space<hbm>>) dst(%dma_wait3A_1093 : memref<512x32xf32, #tpu.memory_space<vmem>>)
      %parallel_loop3A = arith.constant 0 : i32
      %parallel_loop3A_1097 = arith.constant 128 : i32
      %parallel_loop3A_1098 = arith.constant 1 : i32
      scf.for %parallel_loop3A_1116 = %parallel_loop3A to %parallel_loop3A_1097 step %parallel_loop3A_1098  : i32 {
        %parallel_loop3A_1117 = arith.constant 4 : i32
        %parallel_loop3A_1118 = arith.muli %parallel_loop3A_1116, %parallel_loop3A_1117 : i32
        %parallel_loop3A_1119 = arith.constant 0 : i32
        %parallel_loop3A_1120 = arith.addi %parallel_loop3A_1118, %parallel_loop3A_1119 : i32
        %parallel_loop3A_1121 = arith.constant 0 : i32
        %parallel_loop3A_1122 = arith.index_cast %parallel_loop3A_1121 : i32 to index
        %parallel_loop3A_1123 = arith.index_cast %parallel_loop3A_1120 : i32 to index
        %parallel_loop3A_1124 = arith.constant 0 : index
        %parallel_loop3A_1125 = tpu.vector_load %arg11[%parallel_loop3A_1122, %parallel_loop3A_1123, %parallel_loop3A_1124] {strides = array<i32>} : memref<5x512x32xf32, #tpu.memory_space<vmem>>, vector<1x1x16xf32>,
        %parallel_loop3A_1126 = vector.shape_cast %parallel_loop3A_1125 : vector<1x1x16xf32> to vector<16xf32>
        %parallel_loop3A_1127 = arith.mulf %parallel_loop3A_1126, %get3A_4 : vector<16xf32>
        %parallel_loop3A_1128 = arith.constant 1 : i32
        %parallel_loop3A_1129 = arith.index_cast %parallel_loop3A_1128 : i32 to index
        %parallel_loop3A_1130 = arith.index_cast %parallel_loop3A_1120 : i32 to index
        %parallel_loop3A_1131 = arith.constant 0 : index
        %parallel_loop3A_1132 = tpu.vector_load %arg11[%parallel_loop3A_1129, %parallel_loop3A_1130, %parallel_loop3A_1131] {strides = array<i32>} : memref<5x512x32xf32, #tpu.memory_space<vmem>>, vector<1x1x16xf32>,
        %parallel_loop3A_1133 = vector.shape_cast %parallel_loop3A_1132 : vector<1x1x16xf32> to vector<16xf32>
        %parallel_loop3A_1134 = arith.mulf %parallel_loop3A_1133, %get3A_7 : vector<16xf32>
        %parallel_loop3A_1135 = arith.addf %parallel_loop3A_1127, %parallel_loop3A_1134 : vector<16xf32>
        %parallel_loop3A_1136 = arith.constant 2 : i32
        %parallel_loop3A_1137 = arith.index_cast %parallel_loop3A_1136 : i32 to index
        %parallel_loop3A_1138 = arith.index_cast %parallel_loop3A_1120 : i32 to index
        %parallel_loop3A_1139 = arith.constant 0 : index
        %parallel_loop3A_1140 = tpu.vector_load %arg11[%parallel_loop3A_1137, %parallel_loop3A_1138, %parallel_loop3A_1139] {strides = array<i32>} : memref<5x512x32xf32, #tpu.memory_space<vmem>>, vector<1x1x16xf32>,
        %parallel_loop3A_1141 = vector.shape_cast %parallel_loop3A_1140 : vector<1x1x16xf32> to vector<16xf32>
        %parallel_loop3A_1142 = arith.mulf %parallel_loop3A_1141, %get3A_10 : vector<16xf32>
        %parallel_loop3A_1143 = arith.addf %parallel_loop3A_1135, %parallel_loop3A_1142 : vector<16xf32>
        %parallel_loop3A_1144 = arith.constant 3 : i32
        %parallel_loop3A_1145 = arith.index_cast %parallel_loop3A_1144 : i32 to index
        %parallel_loop3A_1146 = arith.index_cast %parallel_loop3A_1120 : i32 to index
        %parallel_loop3A_1147 = arith.constant 0 : index
        %parallel_loop3A_1148 = tpu.vector_load %arg11[%parallel_loop3A_1145, %parallel_loop3A_1146, %parallel_loop3A_1147] {strides = array<i32>} : memref<5x512x32xf32, #tpu.memory_space<vmem>>, vector<1x1x16xf32>,
        %parallel_loop3A_1149 = vector.shape_cast %parallel_loop3A_1148 : vector<1x1x16xf32> to vector<16xf32>
        %parallel_loop3A_1150 = arith.mulf %parallel_loop3A_1149, %get3A_13 : vector<16xf32>
        %parallel_loop3A_1151 = arith.addf %parallel_loop3A_1143, %parallel_loop3A_1150 : vector<16xf32>
        %parallel_loop3A_1152 = arith.constant 4 : i32
        %parallel_loop3A_1153 = arith.index_cast %parallel_loop3A_1152 : i32 to index
        %parallel_loop3A_1154 = arith.index_cast %parallel_loop3A_1120 : i32 to index
        %parallel_loop3A_1155 = arith.constant 0 : index
        %parallel_loop3A_1156 = tpu.vector_load %arg11[%parallel_loop3A_1153, %parallel_loop3A_1154, %parallel_loop3A_1155] {strides = array<i32>} : memref<5x512x32xf32, #tpu.memory_space<vmem>>, vector<1x1x16xf32>,
        %parallel_loop3A_1157 = vector.shape_cast %parallel_loop3A_1156 : vector<1x1x16xf32> to vector<16xf32>
        %parallel_loop3A_1158 = arith.mulf %parallel_loop3A_1157, %get3A_16 : vector<16xf32>
        %parallel_loop3A_1159 = arith.addf %parallel_loop3A_1151, %parallel_loop3A_1158 : vector<16xf32>
        %parallel_loop3A_1160 = arith.index_cast %parallel_loop3A_1116 : i32 to index
        %parallel_loop3A_1161 = arith.constant 0 : index
        %parallel_loop3A_1162 = tpu.vector_load %arg12[%parallel_loop3A_1160, %parallel_loop3A_1161] {strides = array<i32>} : memref<128x128xf32, #tpu.memory_space<vmem>>, vector<1x16xf32>,
        %parallel_loop3A_1163 = vector.shape_cast %parallel_loop3A_1162 : vector<1x16xf32> to vector<16xf32>
        %parallel_loop3A_1164 = vector.shape_cast %parallel_loop3A_1159 : vector<16xf32> to vector<1x16xf32>
        tpu.vector_store %arg12[%parallel_loop3A_1160, %parallel_loop3A_1161], %parallel_loop3A_1164 {strides = array<i32>} : memref<128x128xf32, #tpu.memory_space<vmem>>, vector<1x16xf32>,
        %parallel_loop3A_1165 = arith.constant 0 : i32
        %parallel_loop3A_1166 = arith.index_cast %parallel_loop3A_1165 : i32 to index
        %parallel_loop3A_1167 = arith.index_cast %parallel_loop3A_1120 : i32 to index
        %parallel_loop3A_1168 = arith.constant 16 : index
        %parallel_loop3A_1169 = tpu.vector_load %arg11[%parallel_loop3A_1166, %parallel_loop3A_1167, %parallel_loop3A_1168] {strides = array<i32>} : memref<5x512x32xf32, #tpu.memory_space<vmem>>, vector<1x1x16xf32>,
        %parallel_loop3A_1170 = vector.shape_cast %parallel_loop3A_1169 : vector<1x1x16xf32> to vector<16xf32>
        %parallel_loop3A_1171 = arith.mulf %parallel_loop3A_1170, %get3A_4 : vector<16xf32>
        %parallel_loop3A_1172 = arith.constant 1 : i32
        %parallel_loop3A_1173 = arith.index_cast %parallel_loop3A_1172 : i32 to index
        %parallel_loop3A_1174 = arith.index_cast %parallel_loop3A_1120 : i32 to index
        %parallel_loop3A_1175 = arith.constant 16 : index
        %parallel_loop3A_1176 = tpu.vector_load %arg11[%parallel_loop3A_1173, %parallel_loop3A_1174, %parallel_loop3A_1175] {strides = array<i32>} : memref<5x512x32xf32, #tpu.memory_space<vmem>>, vector<1x1x16xf32>,
        %parallel_loop3A_1177 = vector.shape_cast %parallel_loop3A_1176 : vector<1x1x16xf32> to vector<16xf32>
        %parallel_loop3A_1178 = arith.mulf %parallel_loop3A_1177, %get3A_7 : vector<16xf32>
        %parallel_loop3A_1179 = arith.addf %parallel_loop3A_1171, %parallel_loop3A_1178 : vector<16xf32>
        %parallel_loop3A_1180 = arith.constant 2 : i32
        %parallel_loop3A_1181 = arith.index_cast %parallel_loop3A_1180 : i32 to index
        %parallel_loop3A_1182 = arith.index_cast %parallel_loop3A_1120 : i32 to index
        %parallel_loop3A_1183 = arith.constant 16 : index
        %parallel_loop3A_1184 = tpu.vector_load %arg11[%parallel_loop3A_1181, %parallel_loop3A_1182, %parallel_loop3A_1183] {strides = array<i32>} : memref<5x512x32xf32, #tpu.memory_space<vmem>>, vector<1x1x16xf32>,
        %parallel_loop3A_1185 = vector.shape_cast %parallel_loop3A_1184 : vector<1x1x16xf32> to vector<16xf32>
        %parallel_loop3A_1186 = arith.mulf %parallel_loop3A_1185, %get3A_10 : vector<16xf32>
        %parallel_loop3A_1187 = arith.addf %parallel_loop3A_1179, %parallel_loop3A_1186 : vector<16xf32>
        %parallel_loop3A_1188 = arith.constant 3 : i32
        %parallel_loop3A_1189 = arith.index_cast %parallel_loop3A_1188 : i32 to index
        %parallel_loop3A_1190 = arith.index_cast %parallel_loop3A_1120 : i32 to index
        %parallel_loop3A_1191 = arith.constant 16 : index
        %parallel_loop3A_1192 = tpu.vector_load %arg11[%parallel_loop3A_1189, %parallel_loop3A_1190, %parallel_loop3A_1191] {strides = array<i32>} : memref<5x512x32xf32, #tpu.memory_space<vmem>>, vector<1x1x16xf32>,
        %parallel_loop3A_1193 = vector.shape_cast %parallel_loop3A_1192 : vector<1x1x16xf32> to vector<16xf32>
        %parallel_loop3A_1194 = arith.mulf %parallel_loop3A_1193, %get3A_13 : vector<16xf32>
        %parallel_loop3A_1195 = arith.addf %parallel_loop3A_1187, %parallel_loop3A_1194 : vector<16xf32>
        %parallel_loop3A_1196 = arith.constant 4 : i32
        %parallel_loop3A_1197 = arith.index_cast %parallel_loop3A_1196 : i32 to index
        %parallel_loop3A_1198 = arith.index_cast %parallel_loop3A_1120 : i32 to index
        %parallel_loop3A_1199 = arith.constant 16 : index
        %parallel_loop3A_1200 = tpu.vector_load %arg11[%parallel_loop3A_1197, %parallel_loop3A_1198, %parallel_loop3A_1199] {strides = array<i32>} : memref<5x512x32xf32, #tpu.memory_space<vmem>>, vector<1x1x16xf32>,
        %parallel_loop3A_1201 = vector.shape_cast %parallel_loop3A_1200 : vector<1x1x16xf32> to vector<16xf32>
        %parallel_loop3A_1202 = arith.mulf %parallel_loop3A_1201, %get3A_16 : vector<16xf32>
        %parallel_loop3A_1203 = arith.addf %parallel_loop3A_1195, %parallel_loop3A_1202 : vector<16xf32>
        %parallel_loop3A_1204 = arith.index_cast %parallel_loop3A_1116 : i32 to index
        %parallel_loop3A_1205 = arith.constant 16 : index
        %parallel_loop3A_1206 = tpu.vector_load %arg12[%parallel_loop3A_1204, %parallel_loop3A_1205] {strides = array<i32>} : memref<128x128xf32, #tpu.memory_space<vmem>>, vector<1x16xf32>,
        %parallel_loop3A_1207 = vector.shape_cast %parallel_loop3A_1206 : vector<1x16xf32> to vector<16xf32>
        %parallel_loop3A_1208 = vector.shape_cast %parallel_loop3A_1203 : vector<16xf32> to vector<1x16xf32>
        tpu.vector_store %arg12[%parallel_loop3A_1204, %parallel_loop3A_1205], %parallel_loop3A_1208 {strides = array<i32>} : memref<128x128xf32, #tpu.memory_space<vmem>>, vector<1x16xf32>,
        %parallel_loop3A_1209 = arith.constant 4 : i32
        %parallel_loop3A_1210 = arith.muli %parallel_loop3A_1116, %parallel_loop3A_1209 : i32
        %parallel_loop3A_1211 = arith.constant 1 : i32
        %parallel_loop3A_1212 = arith.addi %parallel_loop3A_1210, %parallel_loop3A_1211 : i32
        %parallel_loop3A_1213 = arith.constant 0 : i32
        %parallel_loop3A_1214 = arith.index_cast %parallel_loop3A_1213 : i32 to index
        %parallel_loop3A_1215 = arith.index_cast %parallel_loop3A_1212 : i32 to index
        %parallel_loop3A_1216 = arith.constant 0 : index
        %parallel_loop3A_1217 = tpu.vector_load %arg11[%parallel_loop3A_1214, %parallel_loop3A_1215, %parallel_loop3A_1216] {strides = array<i32>} : memref<5x512x32xf32, #tpu.memory_space<vmem>>, vector<1x1x16xf32>,
        %parallel_loop3A_1218 = vector.shape_cast %parallel_loop3A_1217 : vector<1x1x16xf32> to vector<16xf32>
        %parallel_loop3A_1219 = arith.mulf %parallel_loop3A_1218, %get3A_4 : vector<16xf32>
        %parallel_loop3A_1220 = arith.constant 1 : i32
        %parallel_loop3A_1221 = arith.index_cast %parallel_loop3A_1220 : i32 to index
        %parallel_loop3A_1222 = arith.index_cast %parallel_loop3A_1212 : i32 to index
        %parallel_loop3A_1223 = arith.constant 0 : index
        %parallel_loop3A_1224 = tpu.vector_load %arg11[%parallel_loop3A_1221, %parallel_loop3A_1222, %parallel_loop3A_1223] {strides = array<i32>} : memref<5x512x32xf32, #tpu.memory_space<vmem>>, vector<1x1x16xf32>,
        %parallel_loop3A_1225 = vector.shape_cast %parallel_loop3A_1224 : vector<1x1x16xf32> to vector<16xf32>
        %parallel_loop3A_1226 = arith.mulf %parallel_loop3A_1225, %get3A_7 : vector<16xf32>
        %parallel_loop3A_1227 = arith.addf %parallel_loop3A_1219, %parallel_loop3A_1226 : vector<16xf32>
        %parallel_loop3A_1228 = arith.constant 2 : i32
        %parallel_loop3A_1229 = arith.index_cast %parallel_loop3A_1228 : i32 to index
        %parallel_loop3A_1230 = arith.index_cast %parallel_loop3A_1212 : i32 to index
        %parallel_loop3A_1231 = arith.constant 0 : index
        %parallel_loop3A_1232 = tpu.vector_load %arg11[%parallel_loop3A_1229, %parallel_loop3A_1230, %parallel_loop3A_1231] {strides = array<i32>} : memref<5x512x32xf32, #tpu.memory_space<vmem>>, vector<1x1x16xf32>,
        %parallel_loop3A_1233 = vector.shape_cast %parallel_loop3A_1232 : vector<1x1x16xf32> to vector<16xf32>
        %parallel_loop3A_1234 = arith.mulf %parallel_loop3A_1233, %get3A_10 : vector<16xf32>
        %parallel_loop3A_1235 = arith.addf %parallel_loop3A_1227, %parallel_loop3A_1234 : vector<16xf32>
        %parallel_loop3A_1236 = arith.constant 3 : i32
        %parallel_loop3A_1237 = arith.index_cast %parallel_loop3A_1236 : i32 to index
        %parallel_loop3A_1238 = arith.index_cast %parallel_loop3A_1212 : i32 to index
        %parallel_loop3A_1239 = arith.constant 0 : index
        %parallel_loop3A_1240 = tpu.vector_load %arg11[%parallel_loop3A_1237, %parallel_loop3A_1238, %parallel_loop3A_1239] {strides = array<i32>} : memref<5x512x32xf32, #tpu.memory_space<vmem>>, vector<1x1x16xf32>,
        %parallel_loop3A_1241 = vector.shape_cast %parallel_loop3A_1240 : vector<1x1x16xf32> to vector<16xf32>
        %parallel_loop3A_1242 = arith.mulf %parallel_loop3A_1241, %get3A_13 : vector<16xf32>
        %parallel_loop3A_1243 = arith.addf %parallel_loop3A_1235, %parallel_loop3A_1242 : vector<16xf32>
        %parallel_loop3A_1244 = arith.constant 4 : i32
        %parallel_loop3A_1245 = arith.index_cast %parallel_loop3A_1244 : i32 to index
        %parallel_loop3A_1246 = arith.index_cast %parallel_loop3A_1212 : i32 to index
        %parallel_loop3A_1247 = arith.constant 0 : index
        %parallel_loop3A_1248 = tpu.vector_load %arg11[%parallel_loop3A_1245, %parallel_loop3A_1246, %parallel_loop3A_1247] {strides = array<i32>} : memref<5x512x32xf32, #tpu.memory_space<vmem>>, vector<1x1x16xf32>,
        %parallel_loop3A_1249 = vector.shape_cast %parallel_loop3A_1248 : vector<1x1x16xf32> to vector<16xf32>
        %parallel_loop3A_1250 = arith.mulf %parallel_loop3A_1249, %get3A_16 : vector<16xf32>
        %parallel_loop3A_1251 = arith.addf %parallel_loop3A_1243, %parallel_loop3A_1250 : vector<16xf32>
        %parallel_loop3A_1252 = arith.index_cast %parallel_loop3A_1116 : i32 to index
        %parallel_loop3A_1253 = arith.constant 32 : index
        %parallel_loop3A_1254 = tpu.vector_load %arg12[%parallel_loop3A_1252, %parallel_loop3A_1253] {strides = array<i32>} : memref<128x128xf32, #tpu.memory_space<vmem>>, vector<1x16xf32>,
        %parallel_loop3A_1255 = vector.shape_cast %parallel_loop3A_1254 : vector<1x16xf32> to vector<16xf32>
        %parallel_loop3A_1256 = vector.shape_cast %parallel_loop3A_1251 : vector<16xf32> to vector<1x16xf32>
        tpu.vector_store %arg12[%parallel_loop3A_1252, %parallel_loop3A_1253], %parallel_loop3A_1256 {strides = array<i32>} : memref<128x128xf32, #tpu.memory_space<vmem>>, vector<1x16xf32>,
        %parallel_loop3A_1257 = arith.constant 0 : i32
        %parallel_loop3A_1258 = arith.index_cast %parallel_loop3A_1257 : i32 to index
        %parallel_loop3A_1259 = arith.index_cast %parallel_loop3A_1212 : i32 to index
        %parallel_loop3A_1260 = arith.constant 16 : index
        %parallel_loop3A_1261 = tpu.vector_load %arg11[%parallel_loop3A_1258, %parallel_loop3A_1259, %parallel_loop3A_1260] {strides = array<i32>} : memref<5x512x32xf32, #tpu.memory_space<vmem>>, vector<1x1x16xf32>,
        %parallel_loop3A_1262 = vector.shape_cast %parallel_loop3A_1261 : vector<1x1x16xf32> to vector<16xf32>
        %parallel_loop3A_1263 = arith.mulf %parallel_loop3A_1262, %get3A_4 : vector<16xf32>
        %parallel_loop3A_1264 = arith.constant 1 : i32
        %parallel_loop3A_1265 = arith.index_cast %parallel_loop3A_1264 : i32 to index
        %parallel_loop3A_1266 = arith.index_cast %parallel_loop3A_1212 : i32 to index
        %parallel_loop3A_1267 = arith.constant 16 : index
        %parallel_loop3A_1268 = tpu.vector_load %arg11[%parallel_loop3A_1265, %parallel_loop3A_1266, %parallel_loop3A_1267] {strides = array<i32>} : memref<5x512x32xf32, #tpu.memory_space<vmem>>, vector<1x1x16xf32>,
        %parallel_loop3A_1269 = vector.shape_cast %parallel_loop3A_1268 : vector<1x1x16xf32> to vector<16xf32>
        %parallel_loop3A_1270 = arith.mulf %parallel_loop3A_1269, %get3A_7 : vector<16xf32>
        %parallel_loop3A_1271 = arith.addf %parallel_loop3A_1263, %parallel_loop3A_1270 : vector<16xf32>
        %parallel_loop3A_1272 = arith.constant 2 : i32
        %parallel_loop3A_1273 = arith.index_cast %parallel_loop3A_1272 : i32 to index
        %parallel_loop3A_1274 = arith.index_cast %parallel_loop3A_1212 : i32 to index
        %parallel_loop3A_1275 = arith.constant 16 : index
        %parallel_loop3A_1276 = tpu.vector_load %arg11[%parallel_loop3A_1273, %parallel_loop3A_1274, %parallel_loop3A_1275] {strides = array<i32>} : memref<5x512x32xf32, #tpu.memory_space<vmem>>, vector<1x1x16xf32>,
        %parallel_loop3A_1277 = vector.shape_cast %parallel_loop3A_1276 : vector<1x1x16xf32> to vector<16xf32>
        %parallel_loop3A_1278 = arith.mulf %parallel_loop3A_1277, %get3A_10 : vector<16xf32>
        %parallel_loop3A_1279 = arith.addf %parallel_loop3A_1271, %parallel_loop3A_1278 : vector<16xf32>
        %parallel_loop3A_1280 = arith.constant 3 : i32
        %parallel_loop3A_1281 = arith.index_cast %parallel_loop3A_1280 : i32 to index
        %parallel_loop3A_1282 = arith.index_cast %parallel_loop3A_1212 : i32 to index
        %parallel_loop3A_1283 = arith.constant 16 : index
        %parallel_loop3A_1284 = tpu.vector_load %arg11[%parallel_loop3A_1281, %parallel_loop3A_1282, %parallel_loop3A_1283] {strides = array<i32>} : memref<5x512x32xf32, #tpu.memory_space<vmem>>, vector<1x1x16xf32>,
        %parallel_loop3A_1285 = vector.shape_cast %parallel_loop3A_1284 : vector<1x1x16xf32> to vector<16xf32>
        %parallel_loop3A_1286 = arith.mulf %parallel_loop3A_1285, %get3A_13 : vector<16xf32>
        %parallel_loop3A_1287 = arith.addf %parallel_loop3A_1279, %parallel_loop3A_1286 : vector<16xf32>
        %parallel_loop3A_1288 = arith.constant 4 : i32
        %parallel_loop3A_1289 = arith.index_cast %parallel_loop3A_1288 : i32 to index
        %parallel_loop3A_1290 = arith.index_cast %parallel_loop3A_1212 : i32 to index
        %parallel_loop3A_1291 = arith.constant 16 : index
        %parallel_loop3A_1292 = tpu.vector_load %arg11[%parallel_loop3A_1289, %parallel_loop3A_1290, %parallel_loop3A_1291] {strides = array<i32>} : memref<5x512x32xf32, #tpu.memory_space<vmem>>, vector<1x1x16xf32>,
        %parallel_loop3A_1293 = vector.shape_cast %parallel_loop3A_1292 : vector<1x1x16xf32> to vector<16xf32>
        %parallel_loop3A_1294 = arith.mulf %parallel_loop3A_1293, %get3A_16 : vector<16xf32>
        %parallel_loop3A_1295 = arith.addf %parallel_loop3A_1287, %parallel_loop3A_1294 : vector<16xf32>
        %parallel_loop3A_1296 = arith.index_cast %parallel_loop3A_1116 : i32 to index
        %parallel_loop3A_1297 = arith.constant 48 : index
        %parallel_loop3A_1298 = tpu.vector_load %arg12[%parallel_loop3A_1296, %parallel_loop3A_1297] {strides = array<i32>} : memref<128x128xf32, #tpu.memory_space<vmem>>, vector<1x16xf32>,
        %parallel_loop3A_1299 = vector.shape_cast %parallel_loop3A_1298 : vector<1x16xf32> to vector<16xf32>
        %parallel_loop3A_1300 = vector.shape_cast %parallel_loop3A_1295 : vector<16xf32> to vector<1x16xf32>
        tpu.vector_store %arg12[%parallel_loop3A_1296, %parallel_loop3A_1297], %parallel_loop3A_1300 {strides = array<i32>} : memref<128x128xf32, #tpu.memory_space<vmem>>, vector<1x16xf32>,
        %parallel_loop3A_1301 = arith.constant 4 : i32
        %parallel_loop3A_1302 = arith.muli %parallel_loop3A_1116, %parallel_loop3A_1301 : i32
        %parallel_loop3A_1303 = arith.constant 2 : i32
        %parallel_loop3A_1304 = arith.addi %parallel_loop3A_1302, %parallel_loop3A_1303 : i32
        %parallel_loop3A_1305 = arith.constant 0 : i32
        %parallel_loop3A_1306 = arith.index_cast %parallel_loop3A_1305 : i32 to index
        %parallel_loop3A_1307 = arith.index_cast %parallel_loop3A_1304 : i32 to index
        %parallel_loop3A_1308 = arith.constant 0 : index
        %parallel_loop3A_1309 = tpu.vector_load %arg11[%parallel_loop3A_1306, %parallel_loop3A_1307, %parallel_loop3A_1308] {strides = array<i32>} : memref<5x512x32xf32, #tpu.memory_space<vmem>>, vector<1x1x16xf32>,
        %parallel_loop3A_1310 = vector.shape_cast %parallel_loop3A_1309 : vector<1x1x16xf32> to vector<16xf32>
        %parallel_loop3A_1311 = arith.mulf %parallel_loop3A_1310, %get3A_4 : vector<16xf32>
        %parallel_loop3A_1312 = arith.constant 1 : i32
        %parallel_loop3A_1313 = arith.index_cast %parallel_loop3A_1312 : i32 to index
        %parallel_loop3A_1314 = arith.index_cast %parallel_loop3A_1304 : i32 to index
        %parallel_loop3A_1315 = arith.constant 0 : index
        %parallel_loop3A_1316 = tpu.vector_load %arg11[%parallel_loop3A_1313, %parallel_loop3A_1314, %parallel_loop3A_1315] {strides = array<i32>} : memref<5x512x32xf32, #tpu.memory_space<vmem>>, vector<1x1x16xf32>,
        %parallel_loop3A_1317 = vector.shape_cast %parallel_loop3A_1316 : vector<1x1x16xf32> to vector<16xf32>
        %parallel_loop3A_1318 = arith.mulf %parallel_loop3A_1317, %get3A_7 : vector<16xf32>
        %parallel_loop3A_1319 = arith.addf %parallel_loop3A_1311, %parallel_loop3A_1318 : vector<16xf32>
        %parallel_loop3A_1320 = arith.constant 2 : i32
        %parallel_loop3A_1321 = arith.index_cast %parallel_loop3A_1320 : i32 to index
        %parallel_loop3A_1322 = arith.index_cast %parallel_loop3A_1304 : i32 to index
        %parallel_loop3A_1323 = arith.constant 0 : index
        %parallel_loop3A_1324 = tpu.vector_load %arg11[%parallel_loop3A_1321, %parallel_loop3A_1322, %parallel_loop3A_1323] {strides = array<i32>} : memref<5x512x32xf32, #tpu.memory_space<vmem>>, vector<1x1x16xf32>,
        %parallel_loop3A_1325 = vector.shape_cast %parallel_loop3A_1324 : vector<1x1x16xf32> to vector<16xf32>
        %parallel_loop3A_1326 = arith.mulf %parallel_loop3A_1325, %get3A_10 : vector<16xf32>
        %parallel_loop3A_1327 = arith.addf %parallel_loop3A_1319, %parallel_loop3A_1326 : vector<16xf32>
        %parallel_loop3A_1328 = arith.constant 3 : i32
        %parallel_loop3A_1329 = arith.index_cast %parallel_loop3A_1328 : i32 to index
        %parallel_loop3A_1330 = arith.index_cast %parallel_loop3A_1304 : i32 to index
        %parallel_loop3A_1331 = arith.constant 0 : index
        %parallel_loop3A_1332 = tpu.vector_load %arg11[%parallel_loop3A_1329, %parallel_loop3A_1330, %parallel_loop3A_1331] {strides = array<i32>} : memref<5x512x32xf32, #tpu.memory_space<vmem>>, vector<1x1x16xf32>,
        %parallel_loop3A_1333 = vector.shape_cast %parallel_loop3A_1332 : vector<1x1x16xf32> to vector<16xf32>
        %parallel_loop3A_1334 = arith.mulf %parallel_loop3A_1333, %get3A_13 : vector<16xf32>
        %parallel_loop3A_1335 = arith.addf %parallel_loop3A_1327, %parallel_loop3A_1334 : vector<16xf32>
        %parallel_loop3A_1336 = arith.constant 4 : i32
        %parallel_loop3A_1337 = arith.index_cast %parallel_loop3A_1336 : i32 to index
        %parallel_loop3A_1338 = arith.index_cast %parallel_loop3A_1304 : i32 to index
        %parallel_loop3A_1339 = arith.constant 0 : index
        %parallel_loop3A_1340 = tpu.vector_load %arg11[%parallel_loop3A_1337, %parallel_loop3A_1338, %parallel_loop3A_1339] {strides = array<i32>} : memref<5x512x32xf32, #tpu.memory_space<vmem>>, vector<1x1x16xf32>,
        %parallel_loop3A_1341 = vector.shape_cast %parallel_loop3A_1340 : vector<1x1x16xf32> to vector<16xf32>
        %parallel_loop3A_1342 = arith.mulf %parallel_loop3A_1341, %get3A_16 : vector<16xf32>
        %parallel_loop3A_1343 = arith.addf %parallel_loop3A_1335, %parallel_loop3A_1342 : vector<16xf32>
        %parallel_loop3A_1344 = arith.index_cast %parallel_loop3A_1116 : i32 to index
        %parallel_loop3A_1345 = arith.constant 64 : index
        %parallel_loop3A_1346 = tpu.vector_load %arg12[%parallel_loop3A_1344, %parallel_loop3A_1345] {strides = array<i32>} : memref<128x128xf32, #tpu.memory_space<vmem>>, vector<1x16xf32>,
        %parallel_loop3A_1347 = vector.shape_cast %parallel_loop3A_1346 : vector<1x16xf32> to vector<16xf32>
        %parallel_loop3A_1348 = vector.shape_cast %parallel_loop3A_1343 : vector<16xf32> to vector<1x16xf32>
        tpu.vector_store %arg12[%parallel_loop3A_1344, %parallel_loop3A_1345], %parallel_loop3A_1348 {strides = array<i32>} : memref<128x128xf32, #tpu.memory_space<vmem>>, vector<1x16xf32>,
        %parallel_loop3A_1349 = arith.constant 0 : i32
        %parallel_loop3A_1350 = arith.index_cast %parallel_loop3A_1349 : i32 to index
        %parallel_loop3A_1351 = arith.index_cast %parallel_loop3A_1304 : i32 to index
        %parallel_loop3A_1352 = arith.constant 16 : index
        %parallel_loop3A_1353 = tpu.vector_load %arg11[%parallel_loop3A_1350, %parallel_loop3A_1351, %parallel_loop3A_1352] {strides = array<i32>} : memref<5x512x32xf32, #tpu.memory_space<vmem>>, vector<1x1x16xf32>,
        %parallel_loop3A_1354 = vector.shape_cast %parallel_loop3A_1353 : vector<1x1x16xf32> to vector<16xf32>
        %parallel_loop3A_1355 = arith.mulf %parallel_loop3A_1354, %get3A_4 : vector<16xf32>
        %parallel_loop3A_1356 = arith.constant 1 : i32
        %parallel_loop3A_1357 = arith.index_cast %parallel_loop3A_1356 : i32 to index
        %parallel_loop3A_1358 = arith.index_cast %parallel_loop3A_1304 : i32 to index
        %parallel_loop3A_1359 = arith.constant 16 : index
        %parallel_loop3A_1360 = tpu.vector_load %arg11[%parallel_loop3A_1357, %parallel_loop3A_1358, %parallel_loop3A_1359] {strides = array<i32>} : memref<5x512x32xf32, #tpu.memory_space<vmem>>, vector<1x1x16xf32>,
        %parallel_loop3A_1361 = vector.shape_cast %parallel_loop3A_1360 : vector<1x1x16xf32> to vector<16xf32>
        %parallel_loop3A_1362 = arith.mulf %parallel_loop3A_1361, %get3A_7 : vector<16xf32>
        %parallel_loop3A_1363 = arith.addf %parallel_loop3A_1355, %parallel_loop3A_1362 : vector<16xf32>
        %parallel_loop3A_1364 = arith.constant 2 : i32
        %parallel_loop3A_1365 = arith.index_cast %parallel_loop3A_1364 : i32 to index
        %parallel_loop3A_1366 = arith.index_cast %parallel_loop3A_1304 : i32 to index
        %parallel_loop3A_1367 = arith.constant 16 : index
        %parallel_loop3A_1368 = tpu.vector_load %arg11[%parallel_loop3A_1365, %parallel_loop3A_1366, %parallel_loop3A_1367] {strides = array<i32>} : memref<5x512x32xf32, #tpu.memory_space<vmem>>, vector<1x1x16xf32>,
        %parallel_loop3A_1369 = vector.shape_cast %parallel_loop3A_1368 : vector<1x1x16xf32> to vector<16xf32>
        %parallel_loop3A_1370 = arith.mulf %parallel_loop3A_1369, %get3A_10 : vector<16xf32>
        %parallel_loop3A_1371 = arith.addf %parallel_loop3A_1363, %parallel_loop3A_1370 : vector<16xf32>
        %parallel_loop3A_1372 = arith.constant 3 : i32
        %parallel_loop3A_1373 = arith.index_cast %parallel_loop3A_1372 : i32 to index
        %parallel_loop3A_1374 = arith.index_cast %parallel_loop3A_1304 : i32 to index
        %parallel_loop3A_1375 = arith.constant 16 : index
        %parallel_loop3A_1376 = tpu.vector_load %arg11[%parallel_loop3A_1373, %parallel_loop3A_1374, %parallel_loop3A_1375] {strides = array<i32>} : memref<5x512x32xf32, #tpu.memory_space<vmem>>, vector<1x1x16xf32>,
        %parallel_loop3A_1377 = vector.shape_cast %parallel_loop3A_1376 : vector<1x1x16xf32> to vector<16xf32>
        %parallel_loop3A_1378 = arith.mulf %parallel_loop3A_1377, %get3A_13 : vector<16xf32>
        %parallel_loop3A_1379 = arith.addf %parallel_loop3A_1371, %parallel_loop3A_1378 : vector<16xf32>
        %parallel_loop3A_1380 = arith.constant 4 : i32
        %parallel_loop3A_1381 = arith.index_cast %parallel_loop3A_1380 : i32 to index
        %parallel_loop3A_1382 = arith.index_cast %parallel_loop3A_1304 : i32 to index
        %parallel_loop3A_1383 = arith.constant 16 : index
        %parallel_loop3A_1384 = tpu.vector_load %arg11[%parallel_loop3A_1381, %parallel_loop3A_1382, %parallel_loop3A_1383] {strides = array<i32>} : memref<5x512x32xf32, #tpu.memory_space<vmem>>, vector<1x1x16xf32>,
        %parallel_loop3A_1385 = vector.shape_cast %parallel_loop3A_1384 : vector<1x1x16xf32> to vector<16xf32>
        %parallel_loop3A_1386 = arith.mulf %parallel_loop3A_1385, %get3A_16 : vector<16xf32>
        %parallel_loop3A_1387 = arith.addf %parallel_loop3A_1379, %parallel_loop3A_1386 : vector<16xf32>
        %parallel_loop3A_1388 = arith.index_cast %parallel_loop3A_1116 : i32 to index
        %parallel_loop3A_1389 = arith.constant 80 : index
        %parallel_loop3A_1390 = tpu.vector_load %arg12[%parallel_loop3A_1388, %parallel_loop3A_1389] {strides = array<i32>} : memref<128x128xf32, #tpu.memory_space<vmem>>, vector<1x16xf32>,
        %parallel_loop3A_1391 = vector.shape_cast %parallel_loop3A_1390 : vector<1x16xf32> to vector<16xf32>
        %parallel_loop3A_1392 = vector.shape_cast %parallel_loop3A_1387 : vector<16xf32> to vector<1x16xf32>
        tpu.vector_store %arg12[%parallel_loop3A_1388, %parallel_loop3A_1389], %parallel_loop3A_1392 {strides = array<i32>} : memref<128x128xf32, #tpu.memory_space<vmem>>, vector<1x16xf32>,
        %parallel_loop3A_1393 = arith.constant 4 : i32
        %parallel_loop3A_1394 = arith.muli %parallel_loop3A_1116, %parallel_loop3A_1393 : i32
        %parallel_loop3A_1395 = arith.constant 3 : i32
        %parallel_loop3A_1396 = arith.addi %parallel_loop3A_1394, %parallel_loop3A_1395 : i32
        %parallel_loop3A_1397 = arith.constant 0 : i32
        %parallel_loop3A_1398 = arith.index_cast %parallel_loop3A_1397 : i32 to index
        %parallel_loop3A_1399 = arith.index_cast %parallel_loop3A_1396 : i32 to index
        %parallel_loop3A_1400 = arith.constant 0 : index
        %parallel_loop3A_1401 = tpu.vector_load %arg11[%parallel_loop3A_1398, %parallel_loop3A_1399, %parallel_loop3A_1400] {strides = array<i32>} : memref<5x512x32xf32, #tpu.memory_space<vmem>>, vector<1x1x16xf32>,
        %parallel_loop3A_1402 = vector.shape_cast %parallel_loop3A_1401 : vector<1x1x16xf32> to vector<16xf32>
        %parallel_loop3A_1403 = arith.mulf %parallel_loop3A_1402, %get3A_4 : vector<16xf32>
        %parallel_loop3A_1404 = arith.constant 1 : i32
        %parallel_loop3A_1405 = arith.index_cast %parallel_loop3A_1404 : i32 to index
        %parallel_loop3A_1406 = arith.index_cast %parallel_loop3A_1396 : i32 to index
        %parallel_loop3A_1407 = arith.constant 0 : index
        %parallel_loop3A_1408 = tpu.vector_load %arg11[%parallel_loop3A_1405, %parallel_loop3A_1406, %parallel_loop3A_1407] {strides = array<i32>} : memref<5x512x32xf32, #tpu.memory_space<vmem>>, vector<1x1x16xf32>,
        %parallel_loop3A_1409 = vector.shape_cast %parallel_loop3A_1408 : vector<1x1x16xf32> to vector<16xf32>
        %parallel_loop3A_1410 = arith.mulf %parallel_loop3A_1409, %get3A_7 : vector<16xf32>
        %parallel_loop3A_1411 = arith.addf %parallel_loop3A_1403, %parallel_loop3A_1410 : vector<16xf32>
        %parallel_loop3A_1412 = arith.constant 2 : i32
        %parallel_loop3A_1413 = arith.index_cast %parallel_loop3A_1412 : i32 to index
        %parallel_loop3A_1414 = arith.index_cast %parallel_loop3A_1396 : i32 to index
        %parallel_loop3A_1415 = arith.constant 0 : index
        %parallel_loop3A_1416 = tpu.vector_load %arg11[%parallel_loop3A_1413, %parallel_loop3A_1414, %parallel_loop3A_1415] {strides = array<i32>} : memref<5x512x32xf32, #tpu.memory_space<vmem>>, vector<1x1x16xf32>,
        %parallel_loop3A_1417 = vector.shape_cast %parallel_loop3A_1416 : vector<1x1x16xf32> to vector<16xf32>
        %parallel_loop3A_1418 = arith.mulf %parallel_loop3A_1417, %get3A_10 : vector<16xf32>
        %parallel_loop3A_1419 = arith.addf %parallel_loop3A_1411, %parallel_loop3A_1418 : vector<16xf32>
        %parallel_loop3A_1420 = arith.constant 3 : i32
        %parallel_loop3A_1421 = arith.index_cast %parallel_loop3A_1420 : i32 to index
        %parallel_loop3A_1422 = arith.index_cast %parallel_loop3A_1396 : i32 to index
        %parallel_loop3A_1423 = arith.constant 0 : index
        %parallel_loop3A_1424 = tpu.vector_load %arg11[%parallel_loop3A_1421, %parallel_loop3A_1422, %parallel_loop3A_1423] {strides = array<i32>} : memref<5x512x32xf32, #tpu.memory_space<vmem>>, vector<1x1x16xf32>,
        %parallel_loop3A_1425 = vector.shape_cast %parallel_loop3A_1424 : vector<1x1x16xf32> to vector<16xf32>
        %parallel_loop3A_1426 = arith.mulf %parallel_loop3A_1425, %get3A_13 : vector<16xf32>
        %parallel_loop3A_1427 = arith.addf %parallel_loop3A_1419, %parallel_loop3A_1426 : vector<16xf32>
        %parallel_loop3A_1428 = arith.constant 4 : i32
        %parallel_loop3A_1429 = arith.index_cast %parallel_loop3A_1428 : i32 to index
        %parallel_loop3A_1430 = arith.index_cast %parallel_loop3A_1396 : i32 to index
        %parallel_loop3A_1431 = arith.constant 0 : index
        %parallel_loop3A_1432 = tpu.vector_load %arg11[%parallel_loop3A_1429, %parallel_loop3A_1430, %parallel_loop3A_1431] {strides = array<i32>} : memref<5x512x32xf32, #tpu.memory_space<vmem>>, vector<1x1x16xf32>,
        %parallel_loop3A_1433 = vector.shape_cast %parallel_loop3A_1432 : vector<1x1x16xf32> to vector<16xf32>
        %parallel_loop3A_1434 = arith.mulf %parallel_loop3A_1433, %get3A_16 : vector<16xf32>
        %parallel_loop3A_1435 = arith.addf %parallel_loop3A_1427, %parallel_loop3A_1434 : vector<16xf32>
        %parallel_loop3A_1436 = arith.index_cast %parallel_loop3A_1116 : i32 to index
        %parallel_loop3A_1437 = arith.constant 96 : index
        %parallel_loop3A_1438 = tpu.vector_load %arg12[%parallel_loop3A_1436, %parallel_loop3A_1437] {strides = array<i32>} : memref<128x128xf32, #tpu.memory_space<vmem>>, vector<1x16xf32>,
        %parallel_loop3A_1439 = vector.shape_cast %parallel_loop3A_1438 : vector<1x16xf32> to vector<16xf32>
        %parallel_loop3A_1440 = vector.shape_cast %parallel_loop3A_1435 : vector<16xf32> to vector<1x16xf32>
        tpu.vector_store %arg12[%parallel_loop3A_1436, %parallel_loop3A_1437], %parallel_loop3A_1440 {strides = array<i32>} : memref<128x128xf32, #tpu.memory_space<vmem>>, vector<1x16xf32>,
        %parallel_loop3A_1441 = arith.constant 0 : i32
        %parallel_loop3A_1442 = arith.index_cast %parallel_loop3A_1441 : i32 to index
        %parallel_loop3A_1443 = arith.index_cast %parallel_loop3A_1396 : i32 to index
        %parallel_loop3A_1444 = arith.constant 16 : index
        %parallel_loop3A_1445 = tpu.vector_load %arg11[%parallel_loop3A_1442, %parallel_loop3A_1443, %parallel_loop3A_1444] {strides = array<i32>} : memref<5x512x32xf32, #tpu.memory_space<vmem>>, vector<1x1x16xf32>,
        %parallel_loop3A_1446 = vector.shape_cast %parallel_loop3A_1445 : vector<1x1x16xf32> to vector<16xf32>
        %parallel_loop3A_1447 = arith.mulf %parallel_loop3A_1446, %get3A_4 : vector<16xf32>
        %parallel_loop3A_1448 = arith.constant 1 : i32
        %parallel_loop3A_1449 = arith.index_cast %parallel_loop3A_1448 : i32 to index
        %parallel_loop3A_1450 = arith.index_cast %parallel_loop3A_1396 : i32 to index
        %parallel_loop3A_1451 = arith.constant 16 : index
        %parallel_loop3A_1452 = tpu.vector_load %arg11[%parallel_loop3A_1449, %parallel_loop3A_1450, %parallel_loop3A_1451] {strides = array<i32>} : memref<5x512x32xf32, #tpu.memory_space<vmem>>, vector<1x1x16xf32>,
        %parallel_loop3A_1453 = vector.shape_cast %parallel_loop3A_1452 : vector<1x1x16xf32> to vector<16xf32>
        %parallel_loop3A_1454 = arith.mulf %parallel_loop3A_1453, %get3A_7 : vector<16xf32>
        %parallel_loop3A_1455 = arith.addf %parallel_loop3A_1447, %parallel_loop3A_1454 : vector<16xf32>
        %parallel_loop3A_1456 = arith.constant 2 : i32
        %parallel_loop3A_1457 = arith.index_cast %parallel_loop3A_1456 : i32 to index
        %parallel_loop3A_1458 = arith.index_cast %parallel_loop3A_1396 : i32 to index
        %parallel_loop3A_1459 = arith.constant 16 : index
        %parallel_loop3A_1460 = tpu.vector_load %arg11[%parallel_loop3A_1457, %parallel_loop3A_1458, %parallel_loop3A_1459] {strides = array<i32>} : memref<5x512x32xf32, #tpu.memory_space<vmem>>, vector<1x1x16xf32>,
        %parallel_loop3A_1461 = vector.shape_cast %parallel_loop3A_1460 : vector<1x1x16xf32> to vector<16xf32>
        %parallel_loop3A_1462 = arith.mulf %parallel_loop3A_1461, %get3A_10 : vector<16xf32>
        %parallel_loop3A_1463 = arith.addf %parallel_loop3A_1455, %parallel_loop3A_1462 : vector<16xf32>
        %parallel_loop3A_1464 = arith.constant 3 : i32
        %parallel_loop3A_1465 = arith.index_cast %parallel_loop3A_1464 : i32 to index
        %parallel_loop3A_1466 = arith.index_cast %parallel_loop3A_1396 : i32 to index
        %parallel_loop3A_1467 = arith.constant 16 : index
        %parallel_loop3A_1468 = tpu.vector_load %arg11[%parallel_loop3A_1465, %parallel_loop3A_1466, %parallel_loop3A_1467] {strides = array<i32>} : memref<5x512x32xf32, #tpu.memory_space<vmem>>, vector<1x1x16xf32>,
        %parallel_loop3A_1469 = vector.shape_cast %parallel_loop3A_1468 : vector<1x1x16xf32> to vector<16xf32>
        %parallel_loop3A_1470 = arith.mulf %parallel_loop3A_1469, %get3A_13 : vector<16xf32>
        %parallel_loop3A_1471 = arith.addf %parallel_loop3A_1463, %parallel_loop3A_1470 : vector<16xf32>
        %parallel_loop3A_1472 = arith.constant 4 : i32
        %parallel_loop3A_1473 = arith.index_cast %parallel_loop3A_1472 : i32 to index
        %parallel_loop3A_1474 = arith.index_cast %parallel_loop3A_1396 : i32 to index
        %parallel_loop3A_1475 = arith.constant 16 : index
        %parallel_loop3A_1476 = tpu.vector_load %arg11[%parallel_loop3A_1473, %parallel_loop3A_1474, %parallel_loop3A_1475] {strides = array<i32>} : memref<5x512x32xf32, #tpu.memory_space<vmem>>, vector<1x1x16xf32>,
        %parallel_loop3A_1477 = vector.shape_cast %parallel_loop3A_1476 : vector<1x1x16xf32> to vector<16xf32>
        %parallel_loop3A_1478 = arith.mulf %parallel_loop3A_1477, %get3A_16 : vector<16xf32>
        %parallel_loop3A_1479 = arith.addf %parallel_loop3A_1471, %parallel_loop3A_1478 : vector<16xf32>
        %parallel_loop3A_1480 = arith.index_cast %parallel_loop3A_1116 : i32 to index
        %parallel_loop3A_1481 = arith.constant 112 : index
        %parallel_loop3A_1482 = tpu.vector_load %arg12[%parallel_loop3A_1480, %parallel_loop3A_1481] {strides = array<i32>} : memref<128x128xf32, #tpu.memory_space<vmem>>, vector<1x16xf32>,
        %parallel_loop3A_1483 = vector.shape_cast %parallel_loop3A_1482 : vector<1x16xf32> to vector<16xf32>
        %parallel_loop3A_1484 = vector.shape_cast %parallel_loop3A_1479 : vector<16xf32> to vector<1x16xf32>
        tpu.vector_store %arg12[%parallel_loop3A_1480, %parallel_loop3A_1481], %parallel_loop3A_1484 {strides = array<i32>} : memref<128x128xf32, #tpu.memory_space<vmem>>, vector<1x16xf32>,
      } {sc.loop_unroll_factor = 2 : i64, sc.parallel_access}
      %jit3A = arith.constant 4 : i32
      %div3A = arith.divsi %add3A_27, %jit3A : i32
      %sign3A = arith.constant 0 : i32
      %sign3A_1099 = arith.cmpi sgt, %add3A_27, %sign3A : i32
      %sign3A_1100 = arith.extui %sign3A_1099 : i1 to i32
      %sign3A_1101 = arith.constant 0 : i32
      %sign3A_1102 = arith.cmpi slt, %add3A_27, %sign3A_1101 : i32
      %sign3A_1103 = arith.extui %sign3A_1102 : i1 to i32
      %sign3A_1104 = arith.subi %sign3A_1100, %sign3A_1103 : i32
      %sign3A_1105 = arith.constant 0 : i32
      %sign3A_1106 = arith.cmpi sgt, %jit3A, %sign3A_1105 : i32
      %sign3A_1107 = arith.extui %sign3A_1106 : i1 to i32
      %sign3A_1108 = arith.constant 0 : i32
      %sign3A_1109 = arith.cmpi slt, %jit3A, %sign3A_1108 : i32
      %sign3A_1110 = arith.extui %sign3A_1109 : i1 to i32
      %sign3A_1111 = arith.subi %sign3A_1107, %sign3A_1110 : i32
      %ne3A = arith.cmpi ne, %sign3A_1104, %sign3A_1111 : i32
      %rem3A = arith.remsi %add3A_27, %jit3A : i32
      %ne3A_1112 = arith.constant 0 : i32
      %ne3A_1113 = arith.cmpi ne, %rem3A, %ne3A_1112 : i32
      %and3A = arith.andi %ne3A, %ne3A_1113 : i1
      %sub3A = arith.constant 1 : i32
      %sub3A_1114 = arith.subi %div3A, %sub3A : i32
      %select_n3A = arith.select %and3A, %sub3A_1114, %div3A : i32
      "tpu.region"() ({
        %run_scoped3A = tpu.sem_alloc : memref<!tpu.dma_semaphore, #tpu.memory_space<semaphore_mem>>
        %dma_start3A_1116 = arith.constant 0 : i32
        %dma_start3A_1117 = tpu.memref_slice %arg5[%select_n3A, %dma_start3A_1116] : memref<204800x128xf32, #tpu.memory_space<hbm>> -> memref<128x128xf32, #tpu.memory_space<hbm>>
        %dma_start3A_1118 = arith.constant 0 : i32
        %dma_start3A_1119 = tpu.memref_slice %arg5[%select_n3A, %dma_start3A_1118] : memref<204800x128xf32, #tpu.memory_space<hbm>> -> memref<128x128xf32, #tpu.memory_space<hbm>>
        tpu.enqueue_dma source(%arg12 : memref<128x128xf32, #tpu.memory_space<vmem>>) target(%dma_start3A_1119 : memref<128x128xf32, #tpu.memory_space<hbm>>) target_semaphore(%run_scoped3A : memref<!tpu.dma_semaphore, #tpu.memory_space<semaphore_mem>>)
        %dma_wait3A_1120 = arith.constant 0 : i32
        %dma_wait3A_1121 = tpu.memref_slice %arg5[%select_n3A, %dma_wait3A_1120] : memref<204800x128xf32, #tpu.memory_space<hbm>> -> memref<128x128xf32, #tpu.memory_space<hbm>>
        %dma_wait3A_1122 = arith.constant 0 : i32
        %dma_wait3A_1123 = tpu.memref_slice %arg5[%select_n3A, %dma_wait3A_1122] : memref<204800x128xf32, #tpu.memory_space<hbm>> -> memref<128x128xf32, #tpu.memory_space<hbm>>
        tpu.wait_dma2 semaphore(%run_scoped3A : memref<!tpu.dma_semaphore, #tpu.memory_space<semaphore_mem>>) src(%arg12 : memref<128x128xf32, #tpu.memory_space<vmem>>) dst(%dma_wait3A_1123 : memref<128x128xf32, #tpu.memory_space<hbm>>)
        tpu.yield
      }) : () -> ()
      %scan3A_1115 = arith.constant 0 : i32
      scf.yield %scan3A_1115 : i32
    }
    %scan3A_22 = arith.constant 50 : i32
    return
  }
}

</mosaic_0001>

<sc_bundles>
// kernel: kernel.3.cloned.1.call-start
scs
__scs_entry_jumppad:
0x0: {  	(pc) =	sbr.rel $0x88, $3  }
0x1: {  	(tag) =	ssettag $0x0;
	lr =	simm.s32 $0x1  }
0x2: {  	[smem:$0x3F9E] =	sst lr;
	_ =	strace $0xD0000000  }
0x3: {  	_ = 	snop  }
0x4: {  	_ = 	snop  }
0x5: {  	_ = 	snop  }
0x6: {  	_ = 	snop  }
0x7: {  	_ = 	snop  }
__scs_overlays_trampoline_lowered:
0x8: {  	[smem:$0x3FAD] =	sst s0  }
0x9: {  	[smem:$0x3FAE] =	sst s1  }
0xa: {  	[smem:$0x3FAF] =	sst s2  }
0xb: {  	[smem:$0x3FB0] =	sst s3  }
0xc: {  	[smem:$0x3FB1] =	sst s4  }
0xd: {  	[smem:$0x3FB2] =	sst s5  }
0xe: {  	[smem:$0x3FB3] =	sst s6  }
0xf: {  	[smem:$0x3FB4] =	sst s7  }
0x10: {  	[smem:$0x3FB5] =	sst s8  }
0x11: {  	[smem:$0x3FB6] =	sst s9;
	s0 =	simm.s32 @!p0 $0x0  }
0x12: {  	s1 =	sld [smem:$0x3F9C];
	s0 =	simm.s32 @p0 $0x1  }
0x13: {  	[smem:$0x3FB7] =	sst s0;
	s0 =	simm.s32 @!p1 $0x0  }
0x14: {  	s2 =	sld [smem:$0x3F9B];
	s0 =	simm.s32 @p1 $0x1  }
0x15: {  	[smem:$0x3FB8] =	sst s0;
	s0 =	simm.s32 @!p2 $0x0  }
0x16: {  	s3 =	sld [smem:$0x3FDB];
	s0 =	simm.s32 @p2 $0x1  }
0x17: {  	s4 =	simm.s32 $0x1BF5;
	[smem:$0x3FBA] =	sst s0  }
0x18: {  	s0 =	sld [smem:$0x3F9D];
	_ =	swait.ge [sflag:s4], $0x0  }
0x19: {  	s7 =	sld [smem:$0x3F9E]  }
0x1a: {  	s8 =	sadd.s32 $0xFFFFE003, lr  }
0x1b: {  	s9 =	sadd.s32 $0xFFFFFEF7, lr;
	s5 =	simm.s32 $0xFFFFFFFF;
	p2 =	slt.u32 s8, $0xFFFFF086  }
0x1c: {  	p1 =	slt.u32 s9, $0xF7A;
	s5 =	simm.s32 @!p2 $0x0  }
0x1d: {  	s5 =	simm.s32 @p1 $0x1;
	p0 =	seq.s32 s7, s2  }
0x1e: {  	s7 =	smul.u32 @!p0 $0xF7A, s2;
	p2 =	seq.s32 @!p0 s5, $0x0  }
0x1f: {  	s9 =	smul.u32 $0xF7A, s1;
	s8 =	simm.s32 @!p0 $0x1BF5;
	p2 =	por !p2, p0  }
0x20: {  	[sflag:s8] =	ssyncset.s32 @!p0 $0xFFFFF086;
	s6 =	sadd.s32 @!p0 s3, s7;
	s7 =	simm.s32 @!p0 $0x108  }
0x21: {  	s3 =	sadd.s32 s3, s9;
	s6 =	sadd.s32 @!p0 $0x88, s6;
	s7 =	simm.s32 @p2 $0x1082  }
0x22: {  	[simem:s7], [sflag:s8] =	dma.local @!p0 [hbm:s6], $0xF7A  }
0x23: {  	s9 =	sor.u32 $0xD0000000, s2;
	s6 =	simm.s32 $0x108;
	_ =	swait.ge @!p0 [sflag:s8], $0x0  }
0x24: {  	s3 =	sadd.s32 $0x88, s3;
	s6 =	simm.s32 @!p1 $0x1082;
	[sflag:s4] =	ssyncset.s32 $0xFFFFF086  }
0x25: {  	[simem:s6], [sflag:s4] =	dma.local [hbm:s3], $0xF7A  }
0x26: {  	[smem:$0x3F9E] =	sst s1;
	(tag) =	ssettag s2;
	_ =	strace s9  }
0x27: {  	s1 =	sld [smem:$0x3FAE]  }
0x28: {  	s2 =	sld [smem:$0x3FAF]  }
0x29: {  	s4 =	sld [smem:$0x3FB1]  }
0x2a: {  	p0 =	seq.s32 s5, $0x0;
	s5 =	sld [smem:$0x3FB2]  }
0x2b: {  	s6 =	sld [smem:$0x3FB3]  }
0x2c: {  	s7 =	sld [smem:$0x3FB4]  }
0x2d: {  	s3 =	simm.s32 $0x108;
	s8 =	sld [smem:$0x3FB5]  }
0x2e: {  	s3 =	simm.s32 @!p0 $0x1082;
	s9 =	sld [smem:$0x3FB6]  }
0x2f: {  	lr =	sadd.s32 s0, s3;
	s0 =	sld [smem:$0x3FAD]  }
0x30: {  	s3 =	sld [smem:$0x3FB0]  }
0x31: {  	[smem:$0x3FB9] =	sst s10  }
0x32: {  	s10 =	sld [smem:$0x3FB7];
	_ =	sdelay $0x3  }
0x33: {  	p0 =	seq.s32 s10, $0x1;
	s10 =	sld [smem:$0x3FB9];
	_ =	sdelay $0x3  }
0x34: {  	[smem:$0x3FB9] =	sst s10  }
0x35: {  	s10 =	sld [smem:$0x3FB8];
	_ =	sdelay $0x3  }
0x36: {  	p1 =	seq.s32 s10, $0x1;
	s10 =	sld [smem:$0x3FB9];
	_ =	sdelay $0x3  }
0x37: {  	[smem:$0x3FB9] =	sst s10  }
0x38: {  	s10 =	sld [smem:$0x3FBA]  }
0x39: {  	_ = 	snop;
	(pc) =	sbr.ind lr, $3  }
0x3a: {  	_ = 	snop  }
0x3b: {  	_ = 	snop  }
0x3c: {  	p2 =	seq.s32 s10, $0x1;
	s10 =	sld [smem:$0x3FB9]  }
0x3d: {  	_ =	shalt  }
0x3e: {  	_ =	shalt  }
0x3f: {  	_ =	shalt  }
0x40: {  	_ =	shalt  }
0x41: {  	_ =	shalt  }
0x42: {  	_ =	shalt  }
0x43: {  	_ =	shalt  }
0x44: {  	_ =	shalt  }
0x45: {  	_ =	shalt  }
0x46: {  	_ =	shalt  }
0x47: {  	_ =	shalt  }
0x48: {  	_ =	shalt  }
0x49: {  	_ =	shalt  }
0x4a: {  	_ =	shalt  }
0x4b: {  	_ =	shalt  }
0x4c: {  	_ =	shalt  }
0x4d: {  	_ =	shalt  }
0x4e: {  	_ =	shalt  }
0x4f: {  	_ =	shalt  }
0x50: {  	_ =	shalt  }
0x51: {  	_ =	shalt  }
0x52: {  	_ =	shalt  }
0x53: {  	_ =	shalt  }
0x54: {  	_ =	shalt  }
0x55: {  	_ =	shalt  }
0x56: {  	_ =	shalt  }
0x57: {  	_ =	shalt  }
0x58: {  	_ =	shalt  }
0x59: {  	_ =	shalt  }
0x5a: {  	_ =	shalt  }
0x5b: {  	_ =	shalt  }
0x5c: {  	_ =	shalt  }
0x5d: {  	_ =	shalt  }
0x5e: {  	_ =	shalt  }
0x5f: {  	_ =	shalt  }
0x60: {  	_ =	shalt  }
0x61: {  	_ =	shalt  }
0x62: {  	_ =	shalt  }
0x63: {  	_ =	shalt  }
0x64: {  	_ =	shalt  }
0x65: {  	_ =	shalt  }
0x66: {  	_ =	shalt  }
0x67: {  	_ =	shalt  }
0x68: {  	_ =	shalt  }
0x69: {  	_ =	shalt  }
0x6a: {  	_ =	shalt  }
0x6b: {  	_ =	shalt  }
0x6c: {  	_ =	shalt  }
0x6d: {  	_ =	shalt  }
0x6e: {  	_ =	shalt  }
0x6f: {  	_ =	shalt  }
0x70: {  	_ =	shalt  }
0x71: {  	_ =	shalt  }
0x72: {  	_ =	shalt  }
0x73: {  	_ =	shalt  }
0x74: {  	_ =	shalt  }
0x75: {  	_ =	shalt  }
0x76: {  	_ =	shalt  }
0x77: {  	_ =	shalt  }
0x78: {  	_ =	shalt  }
0x79: {  	_ =	shalt  }
0x7a: {  	_ =	shalt  }
0x7b: {  	_ =	shalt  }
0x7c: {  	_ =	shalt  }
0x7d: {  	_ =	shalt  }
0x7e: {  	_ =	shalt  }
0x7f: {  	_ =	shalt  }
0x80: {  	_ =	shalt  }
0x81: {  	_ =	shalt  }
0x82: {  	_ =	shalt  }
0x83: {  	_ =	shalt  }
0x84: {  	_ =	shalt  }
0x85: {  	_ =	shalt  }
0x86: {  	_ =	shalt  }
0x87: {  	_ =	shalt  }
.Lfunc_end0:
.L_simem_size_0:
called_computation.1_lowered:
.L_overlay_start_0:
0x88: {  	s2 =	sld [smem:$0x3FD9]  }
0x89: {  	s3 =	sld [smem:$0x3FFE];
	_ =	sdelay $0x1  }
0x8a: {  	s1 =	srdreg.scid  }
0x8b: {  	s0 =	sand.u32 $0x1, s1  }
0x8c: {  	s17 =	sshll.u32 s0, $0xA;
	s2 =	sadd.s32 s3, s2  }
0x8d: {  	s2 =	sadd.s32 s2, s17  }
0x8e: {  	[smem:$0x3FC5] =	sst s2  }
0x8f: {  	_ = 	snop  }
0x90: {  	s2 =	sld [smem:$0x3FD0];
	(tm) =	ssettm $0x1  }
0x91: {  	s18 =	sld [smem:$0x3FFB];
	_ =	sdelay $0x3  }
0x92: {  	_ =	strace s18  }
0x93: {  	s3 =	sld [smem:$0x3FFC];
	_ =	sdelay $0x3  }
0x94: {  	_ =	strace s3  }
0x95: {  	s3 =	sld [smem:$0x3FFD];
	_ =	sdelay $0x3  }
0x96: {  	_ =	strace s3  }
0x97: {  	_ =	strace $0x8FFFFFFF  }
0x98: {  	s19 =	sld [smem:$0x3FDB];
	_ =	sdelay $0x1  }
0x99: {  	s4 =	simm.s32 $_scs_section_size  }
0x9a: {  	s5 =	simm.s32 $_size__tile_overlayer_lowered;
	s6 =	simm.s32 $_tile_overlayer_lowered  }
0x9b: {  	s22 =	simm.s32 $0x1BFF;
	s21 =	sshll.u32 s6, $0x1;
	s3 =	sadd.s32 s4, s19  }
0x9c: {  	s7 =	simm.s32 $0x0;
	s20 =	sshll.u32 s5, $0x1;
	s5 =	sadd.s32 s21, s3  }
0x9d: {  	[timem:s7], [sflag:s22] =	dma.local [hbm:s5], s20  }
0x9e: {  	_ =	swait.ge [sflag:s22], s20  }
0x9f: {  	s4 =	ssub.s32 $0x0, s20;
	[sflag:s22] =	ssyncset.done $0x0  }
0xa0: {  	[sflag:s22] =	ssyncadd.s32 s4;
	_ =	sdelay $0x1  }
0xa1: {  	s23 =	simm.s32 $0x1B8B  }
0xa2: {  	_ =	swait.ge [sflag:s23], $0x1  }
0xa3: {  	[sflag:s23] =	ssyncset.done $0x0  }
0xa4: {  	s25 =	simm.s32 $0x1B8E;
	s24 =	sld [smem:$0x3FFE];
	[sflag:s23] =	ssyncadd.s32 $0xFFFFFFFF  }
0xa5: {  	s26 =	simm.s32 $execute0_lowered;
	[smem:$0x3FD2] =	sst s25  }
0xa6: {  	s5 =	sshll.u32 s26, $0x1;
	_ =	strace $0x80000046;
	[dreg:$0x1] =	wrdreg $0xFFFFFFFF  }
0xa7: {  	s28 =	simm.s32 $_size_execute0_lowered;
	s3 =	sadd.s32 s3, s5;
	[dreg:$0x0] =	wrdreg $0x0  }
0xa8: {  	s5 =	sshll.u32 s28, $0x1;
	[dreg:$0x2] =	wrdreg s3  }
0xa9: {  	[dreg:$0x3] =	wrdreg s5  }
0xaa: {  	[dreg:$0x4] =	wrdreg $0xC0  }
0xab: {  	_ =	task [dreg:s7], $0x5FFFF  }
0xac: {  	[dreg:$0x1] =	wrdreg $0xFFFFFFFF  }
0xad: {  	[dreg:$0x0] =	wrdreg $0x60  }
0xae: {  	[dreg:$0x2] =	wrdreg s24  }
0xaf: {  	[dreg:$0x3] =	wrdreg s2  }
0xb0: {  	[dreg:$0x4] =	wrdreg $0x9  }
0xb1: {  	_ =	task.clear_ibuf [dreg:s7], $0x5FFFF;
	_ =	strace $0x90000046  }
0xb2: {  	s29 =	simm.s32 $0x9;
	_ =	strace $0x80000048  }
0xb3: {  	_ =	swait.ge [sflag:s29], $0x1  }
0xb4: {  	[sflag:s29] =	ssyncadd.s32 $0xFFFFFFFF  }
0xb5: {  	_ =	strace $0x90000048  }
0xb6: {  	_ =	sfence  }
0xb7: {  	s30 =	sld [smem:$0x0];
	_ =	sdelay $0x2  }
0xb8: {  	s31 =	sshll.u32 s1, $0xD;
	s1 =	sshrl.u32 s1, $0x2  }
0xb9: {  	s3 =	sand.u32 $0x4000, s31;
	s1 =	sadd.s32 s1, s30  }
0xba: {  	s0 =	sor.u32 s3, s0;
	s1 =	sshll.u32 s1, $0x11  }
0xbb: {  	s0 =	sor.u32 s1, s0  }
0xbc: {  	s0 =	sadd.s32 $0x8F2B, s0  }
0xbd: {  	[sflag:s0] =	ssyncadd.remote.s32 $0x1  }
0xbe: {  	_ =	sfence.sel $0xFFFF  }
0xbf: {  	[dreg:$0x0] =	wrdreg $0xFFFFFFFF;
	(pc) =	sbr.abs _section_cstart, $3  }
0xc0: {  	[dreg:$0x1] =	wrdreg $0xFFFFFFFF  }
0xc1: {  	_ =	task.clear_ibuf [dreg:s7], $0x2FFFF;
	_ =	strace $0x9FFFFFFF  }
0xc2: {  	(tm) =	ssettm $0x7FFFFFFF  }
0xc3: {  	_ =	shalt  }
tec
execute0_lowered:
.L_overlay_start_1:
0x0: {  	(tag) =	ssettag $0x1  }
0x1: {  	s6 =	rddreg [dreg:$0x0]  }
0x2: {  	s1 =	rddreg [dreg:$0x1]  }
0x3: {  	s0 =	rddreg [dreg:$0x2]  }
0x4: {  	s3 =	simm.s32 $0x0;
	s4 =	srdreg.scid;
	s2 =	stileid.u32  }
0x5: {  	s11 =	simm.s32 $0x200;
	s12 =	simm.s32 $0xA00;
	s13 =	simm.s32 $0x4A00  }
0x6: {  	s14 =	simm.s32 $0x400;
	s15 =	simm.s32 $0x8A00;
	s16 =	simm.s32 $0x600  }
0x7: {  	s17 =	simm.s32 $0xCA00;
	s18 =	simm.s32 $0x800;
	s19 =	simm.s32 $0x10A00  }
0x8: {  	s20 =	simm.s32 $0x1;
	s21 =	simm.s32 $0x14A00;
	s22 =	simm.s32 $0x0  }
0x9: {  	[smem:$0x7FF] =	sst s3;
	s7 =	sand.u32 $0x1, s4;
	s4 =	sadd.s32 $0xF43200, s6  }
0xa: {  	s9 =	sshll.u32 s2, $0x1;
	s5 =	sadd.s32 $0xC00, s6;
	s8 =	ssub.s32 $0x2, s7  }
0xb: {  	s6 =	sadd.s32 $0x19C00, s6;
	_ =	strace $0x80000047;
	s10 =	sshrl.u32 s8, $0x1  }
0xc: {  	s7 =	sor.u32 s7, s9;
	s9 =	simm.s32 $0x18A00;
	s8 =	ssub.s32 s8, s10  }
0xd: {  	s7 =	smul.u32 $0x6400, s7;
	s10 =	simm.s32 $0x2;
	s8 =	smax.u32 s8, $0x1  }
.LBB2_1:
0xe: {  	[tilespmem:s9], [sflag:$0x2] =	stream.linear.gather [hbm4b:s6+s3], $0x50, $0x38;
	[tilespmem:$0x18A50] =	vst v63  }
0xf: {  	_ =	swait.ge [sflag:s10], $0x50  }
0x10: {  	[sflag:s10] =	ssyncset.done $0x0  }
0x11: {  	[sflag:s10] =	ssyncadd.s32 $0xFFFFFFB0  }
0x12: {  	v4 =	vld [tilespmem:$0x18A40]  }
0x13: {  	v0 =	vld [tilespmem:$0x18A00]  }
0x14: {  	v1 =	vld [tilespmem:$0x18A10]  }
0x15: {  	v2 =	vld [tilespmem:$0x18A20]  }
0x16: {  	s23 =	simm.s32 $0x0;
	v3 =	vld [tilespmem:$0x18A30]  }
.LBB2_2:
0x17: {  	s24 =	sshll.u32 s23, $0x9  }
0x18: {  	s24 =	sadd.s32 s7, s24  }
0x19: {  	s25 =	sshrl.u32 s24, $0x3  }
0x1a: {  	s31 =	simm.s32 $0x0;
	s26 =	sadd.s32 s5, s25  }
0x1b: {  	[tilespmem:s31], [sflag:$0x2] =	stream.linear.gather [hbm4b:s26+s31], $0x200, $0x38;
	[tilespmem:$0x18A50] =	vst v63  }
0x1c: {  	_ =	swait.ge [sflag:s10], $0x200  }
0x1d: {  	[sflag:s10] =	ssyncset.done $0x0  }
0x1e: {  	[sflag:s10] =	ssyncadd.s32 $0xFFFFFE00  }
0x1f: {  	v5 =	vld [tilespmem:$0x0];
	_ =	sdelay $0x3  }
0x20: {  	v6 =	vld [tilespmem:$0x10]  }
0x21: {  	v7 =	vadd.s32 $0x1, v5  }
0x22: {  	[tilespmem:$0x200] =	vst v7;
	v7 =	vadd.s32 $0x2, v5  }
0x23: {  	[tilespmem:$0x400] =	vst v7;
	v7 =	vadd.s32 $0x3, v5  }
0x24: {  	v5 =	vadd.s32 $0x4, v5;
	[tilespmem:$0x600] =	vst v7;
	v7 =	vld [tilespmem:$0x20]  }
0x25: {  	[tilespmem:$0x800] =	vst v5;
	v5 =	vadd.s32 $0x1, v6  }
0x26: {  	[tilespmem:$0x210] =	vst v5;
	v5 =	vadd.s32 $0x2, v6  }
0x27: {  	[tilespmem:$0x410] =	vst v5;
	v5 =	vadd.s32 $0x3, v6  }
0x28: {  	[tilespmem:$0x610] =	vst v5;
	v5 =	vadd.s32 $0x4, v6;
	v6 =	vld [tilespmem:$0x30]  }
0x29: {  	[tilespmem:$0x810] =	vst v5;
	v5 =	vadd.s32 $0x1, v7  }
0x2a: {  	[tilespmem:$0x220] =	vst v5;
	v5 =	vadd.s32 $0x2, v7  }
0x2b: {  	[tilespmem:$0x420] =	vst v5;
	v5 =	vadd.s32 $0x3, v7  }
0x2c: {  	[tilespmem:$0x620] =	vst v5;
	v5 =	vadd.s32 $0x4, v7;
	v7 =	vld [tilespmem:$0x40]  }
0x2d: {  	[tilespmem:$0x820] =	vst v5;
	v5 =	vadd.s32 $0x1, v6  }
0x2e: {  	[tilespmem:$0x230] =	vst v5;
	v5 =	vadd.s32 $0x2, v6  }
0x2f: {  	[tilespmem:$0x430] =	vst v5;
	v5 =	vadd.s32 $0x3, v6  }
0x30: {  	[tilespmem:$0x630] =	vst v5;
	v5 =	vadd.s32 $0x4, v6;
	v6 =	vld [tilespmem:$0x50]  }
0x31: {  	[tilespmem:$0x830] =	vst v5;
	v5 =	vadd.s32 $0x1, v7  }
0x32: {  	[tilespmem:$0x240] =	vst v5;
	v5 =	vadd.s32 $0x2, v7  }
0x33: {  	[tilespmem:$0x440] =	vst v5;
	v5 =	vadd.s32 $0x3, v7  }
0x34: {  	[tilespmem:$0x640] =	vst v5;
	v5 =	vadd.s32 $0x4, v7;
	v7 =	vld [tilespmem:$0x60]  }
0x35: {  	[tilespmem:$0x840] =	vst v5;
	v5 =	vadd.s32 $0x1, v6  }
0x36: {  	[tilespmem:$0x250] =	vst v5;
	v5 =	vadd.s32 $0x2, v6  }
0x37: {  	[tilespmem:$0x450] =	vst v5;
	v5 =	vadd.s32 $0x3, v6  }
0x38: {  	[tilespmem:$0x650] =	vst v5;
	v5 =	vadd.s32 $0x4, v6;
	v6 =	vld [tilespmem:$0x70]  }
0x39: {  	[tilespmem:$0x850] =	vst v5;
	v5 =	vadd.s32 $0x1, v7  }
0x3a: {  	[tilespmem:$0x260] =	vst v5;
	v5 =	vadd.s32 $0x2, v7  }
0x3b: {  	[tilespmem:$0x460] =	vst v5;
	v5 =	vadd.s32 $0x3, v7  }
0x3c: {  	[tilespmem:$0x660] =	vst v5;
	v5 =	vadd.s32 $0x4, v7;
	v7 =	vld [tilespmem:$0x80]  }
0x3d: {  	[tilespmem:$0x860] =	vst v5;
	v5 =	vadd.s32 $0x1, v6  }
0x3e: {  	[tilespmem:$0x270] =	vst v5;
	v5 =	vadd.s32 $0x2, v6  }
0x3f: {  	[tilespmem:$0x470] =	vst v5;
	v5 =	vadd.s32 $0x3, v6  }
0x40: {  	[tilespmem:$0x670] =	vst v5;
	v5 =	vadd.s32 $0x4, v6;
	v6 =	vld [tilespmem:$0x90]  }
0x41: {  	[tilespmem:$0x870] =	vst v5;
	v5 =	vadd.s32 $0x1, v7  }
0x42: {  	[tilespmem:$0x280] =	vst v5;
	v5 =	vadd.s32 $0x2, v7  }
0x43: {  	[tilespmem:$0x480] =	vst v5;
	v5 =	vadd.s32 $0x3, v7  }
0x44: {  	[tilespmem:$0x680] =	vst v5;
	v5 =	vadd.s32 $0x4, v7;
	v7 =	vld [tilespmem:$0xA0]  }
0x45: {  	[tilespmem:$0x880] =	vst v5;
	v5 =	vadd.s32 $0x1, v6  }
0x46: {  	[tilespmem:$0x290] =	vst v5;
	v5 =	vadd.s32 $0x2, v6  }
0x47: {  	[tilespmem:$0x490] =	vst v5;
	v5 =	vadd.s32 $0x3, v6  }
0x48: {  	[tilespmem:$0x690] =	vst v5;
	v5 =	vadd.s32 $0x4, v6;
	v6 =	vld [tilespmem:$0xB0]  }
0x49: {  	[tilespmem:$0x890] =	vst v5;
	v5 =	vadd.s32 $0x1, v7  }
0x4a: {  	[tilespmem:$0x2A0] =	vst v5;
	v5 =	vadd.s32 $0x2, v7  }
0x4b: {  	[tilespmem:$0x4A0] =	vst v5;
	v5 =	vadd.s32 $0x3, v7  }
0x4c: {  	[tilespmem:$0x6A0] =	vst v5;
	v5 =	vadd.s32 $0x4, v7;
	v7 =	vld [tilespmem:$0xC0]  }
0x4d: {  	[tilespmem:$0x8A0] =	vst v5;
	v5 =	vadd.s32 $0x1, v6  }
0x4e: {  	[tilespmem:$0x2B0] =	vst v5;
	v5 =	vadd.s32 $0x2, v6  }
0x4f: {  	[tilespmem:$0x4B0] =	vst v5;
	v5 =	vadd.s32 $0x3, v6  }
0x50: {  	[tilespmem:$0x6B0] =	vst v5;
	v5 =	vadd.s32 $0x4, v6;
	v6 =	vld [tilespmem:$0xD0]  }
0x51: {  	[tilespmem:$0x8B0] =	vst v5;
	v5 =	vadd.s32 $0x1, v7  }
0x52: {  	[tilespmem:$0x2C0] =	vst v5;
	v5 =	vadd.s32 $0x2, v7  }
0x53: {  	[tilespmem:$0x4C0] =	vst v5;
	v5 =	vadd.s32 $0x3, v7  }
0x54: {  	[tilespmem:$0x6C0] =	vst v5;
	v5 =	vadd.s32 $0x4, v7;
	v7 =	vld [tilespmem:$0xE0]  }
0x55: {  	[tilespmem:$0x8C0] =	vst v5;
	v5 =	vadd.s32 $0x1, v6  }
0x56: {  	[tilespmem:$0x2D0] =	vst v5;
	v5 =	vadd.s32 $0x2, v6  }
0x57: {  	[tilespmem:$0x4D0] =	vst v5;
	v5 =	vadd.s32 $0x3, v6  }
0x58: {  	[tilespmem:$0x6D0] =	vst v5;
	v5 =	vadd.s32 $0x4, v6;
	v6 =	vld [tilespmem:$0xF0]  }
0x59: {  	[tilespmem:$0x8D0] =	vst v5;
	v5 =	vadd.s32 $0x1, v7  }
0x5a: {  	[tilespmem:$0x2E0] =	vst v5;
	v5 =	vadd.s32 $0x2, v7  }
0x5b: {  	[tilespmem:$0x4E0] =	vst v5;
	v5 =	vadd.s32 $0x3, v7  }
0x5c: {  	[tilespmem:$0x6E0] =	vst v5;
	v5 =	vadd.s32 $0x4, v7;
	v7 =	vld [tilespmem:$0x100]  }
0x5d: {  	[tilespmem:$0x8E0] =	vst v5;
	v5 =	vadd.s32 $0x1, v6  }
0x5e: {  	[tilespmem:$0x2F0] =	vst v5;
	v5 =	vadd.s32 $0x2, v6  }
0x5f: {  	[tilespmem:$0x4F0] =	vst v5;
	v5 =	vadd.s32 $0x3, v6  }
0x60: {  	[tilespmem:$0x6F0] =	vst v5;
	v5 =	vadd.s32 $0x4, v6;
	v6 =	vld [tilespmem:$0x110]  }
0x61: {  	[tilespmem:$0x8F0] =	vst v5;
	v5 =	vadd.s32 $0x1, v7  }
0x62: {  	[tilespmem:$0x300] =	vst v5;
	v5 =	vadd.s32 $0x2, v7  }
0x63: {  	[tilespmem:$0x500] =	vst v5;
	v5 =	vadd.s32 $0x3, v7  }
0x64: {  	[tilespmem:$0x700] =	vst v5;
	v5 =	vadd.s32 $0x4, v7;
	v7 =	vld [tilespmem:$0x120]  }
0x65: {  	[tilespmem:$0x900] =	vst v5;
	v5 =	vadd.s32 $0x1, v6  }
0x66: {  	[tilespmem:$0x310] =	vst v5;
	v5 =	vadd.s32 $0x2, v6  }
0x67: {  	[tilespmem:$0x510] =	vst v5;
	v5 =	vadd.s32 $0x3, v6  }
0x68: {  	[tilespmem:$0x710] =	vst v5;
	v5 =	vadd.s32 $0x4, v6;
	v6 =	vld [tilespmem:$0x130]  }
0x69: {  	[tilespmem:$0x910] =	vst v5;
	v5 =	vadd.s32 $0x1, v7  }
0x6a: {  	[tilespmem:$0x320] =	vst v5;
	v5 =	vadd.s32 $0x2, v7  }
0x6b: {  	[tilespmem:$0x520] =	vst v5;
	v5 =	vadd.s32 $0x3, v7  }
0x6c: {  	[tilespmem:$0x720] =	vst v5;
	v5 =	vadd.s32 $0x4, v7;
	v7 =	vld [tilespmem:$0x140]  }
0x6d: {  	[tilespmem:$0x920] =	vst v5;
	v5 =	vadd.s32 $0x1, v6  }
0x6e: {  	[tilespmem:$0x330] =	vst v5;
	v5 =	vadd.s32 $0x2, v6  }
0x6f: {  	[tilespmem:$0x530] =	vst v5;
	v5 =	vadd.s32 $0x3, v6  }
0x70: {  	[tilespmem:$0x730] =	vst v5;
	v5 =	vadd.s32 $0x4, v6;
	v6 =	vld [tilespmem:$0x150]  }
0x71: {  	[tilespmem:$0x930] =	vst v5;
	v5 =	vadd.s32 $0x1, v7  }
0x72: {  	[tilespmem:$0x340] =	vst v5;
	v5 =	vadd.s32 $0x2, v7  }
0x73: {  	[tilespmem:$0x540] =	vst v5;
	v5 =	vadd.s32 $0x3, v7  }
0x74: {  	[tilespmem:$0x740] =	vst v5;
	v5 =	vadd.s32 $0x4, v7;
	v7 =	vld [tilespmem:$0x160]  }
0x75: {  	[tilespmem:$0x940] =	vst v5;
	v5 =	vadd.s32 $0x1, v6  }
0x76: {  	[tilespmem:$0x350] =	vst v5;
	v5 =	vadd.s32 $0x2, v6  }
0x77: {  	[tilespmem:$0x550] =	vst v5;
	v5 =	vadd.s32 $0x3, v6  }
0x78: {  	[tilespmem:$0x750] =	vst v5;
	v5 =	vadd.s32 $0x4, v6;
	v6 =	vld [tilespmem:$0x170]  }
0x79: {  	[tilespmem:$0x950] =	vst v5;
	v5 =	vadd.s32 $0x1, v7  }
0x7a: {  	[tilespmem:$0x360] =	vst v5;
	v5 =	vadd.s32 $0x2, v7  }
0x7b: {  	[tilespmem:$0x560] =	vst v5;
	v5 =	vadd.s32 $0x3, v7  }
0x7c: {  	[tilespmem:$0x760] =	vst v5;
	v5 =	vadd.s32 $0x4, v7;
	v7 =	vld [tilespmem:$0x180]  }
0x7d: {  	[tilespmem:$0x960] =	vst v5;
	v5 =	vadd.s32 $0x1, v6  }
0x7e: {  	[tilespmem:$0x370] =	vst v5;
	v5 =	vadd.s32 $0x2, v6  }
0x7f: {  	[tilespmem:$0x570] =	vst v5;
	v5 =	vadd.s32 $0x3, v6  }
0x80: {  	[tilespmem:$0x770] =	vst v5;
	v5 =	vadd.s32 $0x4, v6;
	v6 =	vld [tilespmem:$0x190]  }
0x81: {  	[tilespmem:$0x970] =	vst v5;
	v5 =	vadd.s32 $0x1, v7  }
0x82: {  	[tilespmem:$0x380] =	vst v5;
	v5 =	vadd.s32 $0x2, v7  }
0x83: {  	[tilespmem:$0x580] =	vst v5;
	v5 =	vadd.s32 $0x3, v7  }
0x84: {  	[tilespmem:$0x780] =	vst v5;
	v5 =	vadd.s32 $0x4, v7;
	v7 =	vld [tilespmem:$0x1A0]  }
0x85: {  	[tilespmem:$0x980] =	vst v5;
	v5 =	vadd.s32 $0x1, v6  }
0x86: {  	[tilespmem:$0x390] =	vst v5;
	v5 =	vadd.s32 $0x2, v6  }
0x87: {  	[tilespmem:$0x590] =	vst v5;
	v5 =	vadd.s32 $0x3, v6  }
0x88: {  	[tilespmem:$0x790] =	vst v5;
	v5 =	vadd.s32 $0x4, v6;
	v6 =	vld [tilespmem:$0x1B0]  }
0x89: {  	[tilespmem:$0x990] =	vst v5;
	v5 =	vadd.s32 $0x1, v7  }
0x8a: {  	[tilespmem:$0x3A0] =	vst v5;
	v5 =	vadd.s32 $0x2, v7  }
0x8b: {  	[tilespmem:$0x5A0] =	vst v5;
	v5 =	vadd.s32 $0x3, v7  }
0x8c: {  	[tilespmem:$0x7A0] =	vst v5;
	v5 =	vadd.s32 $0x4, v7;
	v7 =	vld [tilespmem:$0x1C0]  }
0x8d: {  	[tilespmem:$0x9A0] =	vst v5;
	v5 =	vadd.s32 $0x1, v6  }
0x8e: {  	[tilespmem:$0x3B0] =	vst v5;
	v5 =	vadd.s32 $0x2, v6  }
0x8f: {  	[tilespmem:$0x5B0] =	vst v5;
	v5 =	vadd.s32 $0x3, v6  }
0x90: {  	[tilespmem:$0x7B0] =	vst v5;
	v5 =	vadd.s32 $0x4, v6;
	v6 =	vld [tilespmem:$0x1D0]  }
0x91: {  	[tilespmem:$0x9B0] =	vst v5;
	v5 =	vadd.s32 $0x1, v7  }
0x92: {  	[tilespmem:$0x3C0] =	vst v5;
	v5 =	vadd.s32 $0x2, v7  }
0x93: {  	[tilespmem:$0x5C0] =	vst v5;
	v5 =	vadd.s32 $0x3, v7  }
0x94: {  	[tilespmem:$0x7C0] =	vst v5;
	v5 =	vadd.s32 $0x4, v7;
	v7 =	vld [tilespmem:$0x1E0]  }
0x95: {  	[tilespmem:$0x9C0] =	vst v5;
	v5 =	vadd.s32 $0x1, v6  }
0x96: {  	[tilespmem:$0x3D0] =	vst v5;
	v5 =	vadd.s32 $0x2, v6  }
0x97: {  	[tilespmem:$0x5D0] =	vst v5;
	v5 =	vadd.s32 $0x3, v6  }
0x98: {  	[tilespmem:$0x7D0] =	vst v5;
	v5 =	vadd.s32 $0x4, v6;
	v6 =	vld [tilespmem:$0x1F0]  }
0x99: {  	[tilespmem:$0x9D0] =	vst v5;
	v5 =	vadd.s32 $0x1, v7  }
0x9a: {  	[tilespmem:$0x3E0] =	vst v5;
	v5 =	vadd.s32 $0x2, v7  }
0x9b: {  	[tilespmem:$0x5E0] =	vst v5;
	v5 =	vadd.s32 $0x3, v7  }
0x9c: {  	[tilespmem:$0x7E0] =	vst v5;
	v5 =	vadd.s32 $0x4, v7  }
0x9d: {  	[tilespmem:$0x9E0] =	vst v5;
	v5 =	vadd.s32 $0x1, v6  }
0x9e: {  	[tilespmem:$0x3F0] =	vst v5;
	v5 =	vadd.s32 $0x2, v6  }
0x9f: {  	[tilespmem:$0x5F0] =	vst v5;
	v5 =	vadd.s32 $0x3, v6  }
0xa0: {  	[tilespmem:$0x7F0] =	vst v5;
	v5 =	vadd.s32 $0x4, v6  }
0xa1: {  	[tilespmem:$0x9F0] =	vst v5  }
0xa2: {  	[tilespmem:s12], [sflag:$0x1] =	stream.indirect.gather [hbm4b:s4+s11], $0x20, s31, s11, $0xb8;
	[tilespmem:$0x18A50] =	vst v63  }
0xa3: {  	_ = 	snop  }
0xa4: {  	[tilespmem:s13], [sflag:$0x1] =	stream.indirect.gather [hbm4b:s4+s11], $0x20, s11, s11, $0xb8;
	[tilespmem:$0x18A50] =	vst v63  }
0xa5: {  	_ = 	snop  }
0xa6: {  	[tilespmem:s15], [sflag:$0x1] =	stream.indirect.gather [hbm4b:s4+s11], $0x20, s14, s11, $0xb8;
	[tilespmem:$0x18A50] =	vst v63  }
0xa7: {  	_ = 	snop  }
0xa8: {  	[tilespmem:s17], [sflag:$0x1] =	stream.indirect.gather [hbm4b:s4+s11], $0x20, s16, s11, $0xb8;
	[tilespmem:$0x18A50] =	vst v63  }
0xa9: {  	_ = 	snop  }
0xaa: {  	[tilespmem:s19], [sflag:$0x1] =	stream.indirect.gather [hbm4b:s4+s11], $0x20, s18, s11, $0xb8;
	[tilespmem:$0x18A50] =	vst v63  }
0xab: {  	_ =	swait.ge [sflag:s20], $0x4000  }
0xac: {  	[sflag:s20] =	ssyncset.done $0x0  }
0xad: {  	[sflag:s20] =	ssyncadd.s32 $0xFFFFC000  }
0xae: {  	_ =	swait.ge [sflag:s20], $0x4000  }
0xaf: {  	[sflag:s20] =	ssyncset.done $0x0  }
0xb0: {  	[sflag:s20] =	ssyncadd.s32 $0xFFFFC000  }
0xb1: {  	_ =	swait.ge [sflag:s20], $0x4000  }
0xb2: {  	[sflag:s20] =	ssyncset.done $0x0  }
0xb3: {  	[sflag:s20] =	ssyncadd.s32 $0xFFFFC000  }
0xb4: {  	_ =	swait.ge [sflag:s20], $0x4000  }
0xb5: {  	[sflag:s20] =	ssyncset.done $0x0  }
0xb6: {  	[sflag:s20] =	ssyncadd.s32 $0xFFFFC000  }
0xb7: {  	_ =	swait.ge [sflag:s20], $0x4000  }
0xb8: {  	[sflag:s20] =	ssyncset.done $0x0  }
0xb9: {  	s25 =	simm.s32 $0x0;
	[sflag:s20] =	ssyncadd.s32 $0xFFFFC000  }
0xba: {  	v5 =	vld [tilespmem:s25+$0xAF0]  }
0xbb: {  	v6 =	vld [tilespmem:s25+$0x4AF0]  }
0xbc: {  	v7 =	vld [tilespmem:s25+$0xA00]  }
0xbd: {  	v8 =	vld [tilespmem:s25+$0x8AF0]  }
0xbe: {  	v9 =	vld [tilespmem:s25+$0x4A00]  }
0xbf: {  	v10 =	vld [tilespmem:s25+$0xCAF0]  }
0xc0: {  	v11 =	vld [tilespmem:s25+$0xA10]  }
0xc1: {  	v12 =	vld [tilespmem:s25+$0x10AF0]  }
0xc2: {  	v13 =	vld [tilespmem:s25+$0x4A10]  }
0xc3: {  	v14 =	vld [tilespmem:s25+$0xA20]  }
0xc4: {  	v15 =	vld [tilespmem:s25+$0x4A20]  }
0xc5: {  	v16 =	vld [tilespmem:s25+$0xA30]  }
0xc6: {  	v17 =	vld [tilespmem:s25+$0xA40]  }
0xc7: {  	v18 =	vld [tilespmem:s25+$0xA50]  }
0xc8: {  	v19 =	vld [tilespmem:s25+$0xA60]  }
0xc9: {  	v20 =	vld [tilespmem:s25+$0xA70]  }
0xca: {  	v21 =	vld [tilespmem:s25+$0xA80]  }
0xcb: {  	v22 =	vld [tilespmem:s25+$0x4A80]  }
0xcc: {  	v23 =	vld [tilespmem:s25+$0xA90]  }
0xcd: {  	v24 =	vld [tilespmem:s25+$0x4A90]  }
0xce: {  	v25 =	vld [tilespmem:s25+$0xAA0]  }
0xcf: {  	v26 =	vld [tilespmem:s25+$0x4AA0]  }
0xd0: {  	v27 =	vld [tilespmem:s25+$0xAB0]  }
0xd1: {  	v28 =	vld [tilespmem:s25+$0x4AB0]  }
0xd2: {  	v29 =	vld [tilespmem:s25+$0xAC0]  }
0xd3: {  	v30 =	vld [tilespmem:s25+$0x4AC0]  }
0xd4: {  	v31 =	vld [tilespmem:s25+$0xAD0]  }
0xd5: {  	v32 =	vld [tilespmem:s25+$0x4AD0]  }
0xd6: {  	v33 =	vld [tilespmem:s25+$0xAE0]  }
0xd7: {  	v34 =	vld [tilespmem:s25+$0x4AE0]  }
0xd8: {  	v35 =	vld [tilespmem:s25+$0x8A00]  }
0xd9: {  	v36 =	vld [tilespmem:s25+$0x8A10]  }
0xda: {  	v37 =	vld [tilespmem:s25+$0x8A20];
	v5 =	vmul.f32 v5, v0  }
0xdb: {  	v38 =	vld [tilespmem:s25+$0x8A30];
	v6 =	vmul.f32 v6, v1;
	v7 =	vmul.f32 v7, v0  }
0xdc: {  	v39 =	vld [tilespmem:s25+$0x8A40];
	v9 =	vmul.f32 v9, v1;
	v11 =	vmul.f32 v11, v0  }
0xdd: {  	v40 =	vld [tilespmem:s25+$0x8A50];
	v13 =	vmul.f32 v13, v1;
	v14 =	vmul.f32 v14, v0  }
0xde: {  	v53 =	vld [tilespmem:s25+$0x8AC0];
	v15 =	vmul.f32 v15, v1;
	v16 =	vmul.f32 v16, v0  }
0xdf: {  	v55 =	vld [tilespmem:s25+$0x8AD0];
	v52 =	vmul.f32 v26, v1;
	v54 =	vmul.f32 v28, v1  }
0xe0: {  	v57 =	vld [tilespmem:s25+$0x8AE0];
	v56 =	vmul.f32 v30, v1;
	v58 =	vmul.f32 v32, v1  }
0xe1: {  	v59 =	vld [tilespmem:s25+$0xCA00];
	v60 =	vmul.f32 v33, v0;
	v61 =	vmul.f32 v34, v1  }
0xe2: {  	v63 =	vmul.f32 v35, v2;
	v5 =	vadd.f32 v6, v5;
	v6 =	vmul.f32 v8, v2;
	v8 =	vld [tilespmem:s25+$0x4A30]  }
0xe3: {  	v7 =	vadd.f32 v9, v7;
	v9 =	vmul.f32 v17, v0;
	v17 =	vld [tilespmem:s25+$0x8A60];
	v11 =	vadd.f32 v13, v11  }
0xe4: {  	v13 =	vmul.f32 v18, v0;
	v18 =	vld [tilespmem:s25+$0x8A70];
	v5 =	vadd.f32 v6, v5;
	v6 =	vmul.f32 v10, v3  }
0xe5: {  	v42 =	vmul.f32 v36, v2;
	v44 =	vmul.f32 v37, v2;
	v10 =	vld [tilespmem:s25+$0x4A40]  }
0xe6: {  	v45 =	vmul.f32 v38, v2;
	v5 =	vadd.f32 v6, v5;
	v6 =	vmul.f32 v12, v4;
	v12 =	vld [tilespmem:s25+$0x4A50]  }
0xe7: {  	v62 =	vld [tilespmem:s25+$0xCA10];
	v47 =	vmul.f32 v39, v2;
	v48 =	vmul.f32 v40, v2;
	v14 =	vadd.f32 v15, v14  }
0xe8: {  	v15 =	vmul.f32 v19, v0;
	v7 =	vadd.f32 v63, v7;
	v5 =	vadd.f32 v6, v5;
	v6 =	vld [tilespmem:s25+$0x4A60]  }
0xe9: {  	v41 =	vld [tilespmem:s25+$0xCA20];
	v11 =	vadd.f32 v42, v11;
	v8 =	vmul.f32 v8, v1;
	v17 =	vmul.f32 v17, v2  }
0xea: {  	v43 =	vld [tilespmem:s25+$0xCA30];
	v14 =	vadd.f32 v44, v14;
	v18 =	vmul.f32 v18, v2;
	v10 =	vmul.f32 v10, v1  }
0xeb: {  	v8 =	vadd.f32 v8, v16;
	v16 =	vmul.f32 v20, v0;
	[tilespmem:s25+$0x14AF0] =	vst v5;
	v5 =	vld [tilespmem:s25+$0x4A70];
	v12 =	vmul.f32 v12, v1  }
0xec: {  	v46 =	vld [tilespmem:s25+$0xCA40];
	v9 =	vadd.f32 v10, v9;
	v10 =	vmul.f32 v21, v0;
	v21 =	vmul.f32 v22, v1  }
0xed: {  	v49 =	vld [tilespmem:s25+$0xCA50];
	v8 =	vadd.f32 v45, v8;
	v6 =	vmul.f32 v6, v1;
	v12 =	vadd.f32 v12, v13  }
0xee: {  	v50 =	vld [tilespmem:s25+$0xCA60];
	v13 =	vmul.f32 v23, v0;
	v23 =	vmul.f32 v24, v1;
	v10 =	vadd.f32 v21, v10  }
0xef: {  	v19 =	vld [tilespmem:s25+$0x8A80];
	v21 =	vmul.f32 v29, v0;
	v9 =	vadd.f32 v47, v9;
	v29 =	vmul.f32 v41, v3  }
0xf0: {  	v20 =	vld [tilespmem:s25+$0x8A90];
	v5 =	vmul.f32 v5, v1;
	v6 =	vadd.f32 v6, v15;
	v13 =	vadd.f32 v23, v13  }
0xf1: {  	v22 =	vld [tilespmem:s25+$0x8AA0];
	v15 =	vmul.f32 v25, v0;
	v21 =	vadd.f32 v56, v21;
	v25 =	vadd.f32 v61, v60  }
0xf2: {  	v24 =	vld [tilespmem:s25+$0x8AB0];
	v23 =	vmul.f32 v31, v0;
	v12 =	vadd.f32 v48, v12;
	v14 =	vadd.f32 v29, v14  }
0xf3: {  	v51 =	vld [tilespmem:s25+$0xCA70];
	v5 =	vadd.f32 v5, v16;
	v16 =	vmul.f32 v27, v0;
	v15 =	vadd.f32 v52, v15  }
0xf4: {  	v56 =	vld [tilespmem:s25+$0xCAE0];
	v23 =	vadd.f32 v58, v23;
	v6 =	vadd.f32 v17, v6;
	v17 =	vmul.f32 v19, v2  }
0xf5: {  	v60 =	vld [tilespmem:s25+$0x10A20];
	v19 =	vmul.f32 v20, v2;
	v16 =	vadd.f32 v54, v16;
	v5 =	vadd.f32 v18, v5  }
0xf6: {  	v20 =	vld [tilespmem:s25+$0xCA80];
	v18 =	vmul.f32 v22, v2;
	v17 =	vadd.f32 v17, v10;
	v10 =	vmul.f32 v53, v2  }
0xf7: {  	v52 =	vld [tilespmem:s25+$0xCA90];
	v22 =	vmul.f32 v24, v2;
	v13 =	vadd.f32 v19, v13;
	v53 =	vmul.f32 v59, v3  }
0xf8: {  	v58 =	vld [tilespmem:s25+$0x10A10];
	v15 =	vadd.f32 v18, v15;
	v18 =	vmul.f32 v55, v2;
	v21 =	vadd.f32 v10, v21  }
0xf9: {  	v19 =	vld [tilespmem:s25+$0xCAA0];
	v10 =	vmul.f32 v57, v2;
	v26 =	vadd.f32 v53, v7;
	v7 =	vmul.f32 v43, v3  }
0xfa: {  	v54 =	vld [tilespmem:s25+$0xCAC0];
	v16 =	vadd.f32 v22, v16;
	v18 =	vadd.f32 v18, v23;
	v23 =	vmul.f32 v62, v3  }
0xfb: {  	v22 =	vld [tilespmem:s25+$0xCAB0];
	v25 =	vadd.f32 v10, v25;
	v10 =	vmul.f32 v46, v3;
	v57 =	vadd.f32 v7, v8  }
0xfc: {  	v7 =	vmul.f32 v49, v3;
	v8 =	vmul.f32 v50, v3;
	v11 =	vadd.f32 v23, v11;
	v23 =	vld [tilespmem:s25+$0x10A00]  }
0xfd: {  	v55 =	vld [tilespmem:s25+$0xCAD0];
	v20 =	vmul.f32 v20, v3;
	v59 =	vadd.f32 v10, v9;
	v9 =	vmul.f32 v51, v3  }
0xfe: {  	v61 =	vadd.f32 v7, v12;
	v62 =	vadd.f32 v8, v6;
	v6 =	vmul.f32 v52, v3;
	v12 =	vld [tilespmem:s25+$0x10A30]  }
0xff: {  	v7 =	vmul.f32 v19, v3;
	v10 =	vadd.f32 v9, v5;
	v9 =	vadd.f32 v20, v17;
	v17 =	vld [tilespmem:s25+$0x10A40]  }
0x100: {  	v19 =	vld [tilespmem:s25+$0x10A50];
	v8 =	vmul.f32 v22, v3;
	v5 =	vadd.f32 v6, v13;
	v20 =	vmul.f32 v58, v4  }
0x101: {  	v22 =	vld [tilespmem:s25+$0x10A60];
	v6 =	vadd.f32 v7, v15;
	v15 =	vmul.f32 v54, v3;
	v13 =	vmul.f32 v23, v4  }
0x102: {  	v7 =	vadd.f32 v8, v16;
	v16 =	vmul.f32 v60, v4;
	v11 =	vadd.f32 v20, v11;
	v23 =	vld [tilespmem:s25+$0x10A70]  }
0x103: {  	v63 =	vld [tilespmem:s25+$0x10A80];
	v8 =	vadd.f32 v15, v21;
	v12 =	vmul.f32 v12, v4;
	v13 =	vadd.f32 v13, v26  }
0x104: {  	v15 =	vmul.f32 v55, v3;
	v16 =	vadd.f32 v16, v14;
	v14 =	vld [tilespmem:s25+$0x10A90];
	[tilespmem:s25+$0x14A10] =	vst v11;
	v17 =	vmul.f32 v17, v4  }
0x105: {  	v20 =	vmul.f32 v56, v3;
	v19 =	vmul.f32 v19, v4;
	v21 =	vadd.f32 v12, v57;
	[tilespmem:s25+$0x14A00] =	vst v13;
	v13 =	vld [tilespmem:s25+$0x10AA0]  }
0x106: {  	v11 =	vadd.f32 v15, v18;
	v18 =	vmul.f32 v22, v4;
	v15 =	vld [tilespmem:s25+$0x10AB0];
	[tilespmem:s25+$0x14A20] =	vst v16;
	v17 =	vadd.f32 v17, v59  }
0x107: {  	v12 =	vadd.f32 v20, v25;
	v20 =	vadd.f32 v19, v61;
	v16 =	vld [tilespmem:s25+$0x10AC0];
	[tilespmem:s25+$0x14A30] =	vst v21;
	v21 =	vmul.f32 v23, v4  }
0x108: {  	s28 =	simm.s32 $0x400;
	s26 =	simm.s32 $0x0;
	v19 =	vmul.f32 v63, v4;
	v18 =	vadd.f32 v18, v62;
	[tilespmem:s25+$0x14A40] =	vst v17;
	v17 =	vld [tilespmem:s25+$0x10AD0]  }
.LBB2_3:
0x109: {  	s29 =	sshra.s32 s28, $0x2;
	[tilespmem:s25+$0x14A50] =	vst v20;
	v10 =	vadd.f32 v21, v10;
	v14 =	vmul.f32 v14, v4;
	v20 =	vld [tilespmem:s25+$0x10AE0]  }
0x10a: {  	s26 =	sadd.s32 $0x2, s26;
	v21 =	vld [tilespmem:s29+$0xAF0];
	[tilespmem:s25+$0x14A60] =	vst v18;
	v9 =	vadd.f32 v19, v9;
	v13 =	vmul.f32 v13, v4  }
0x10b: {  	p0 =	slt.u32 s26, $0x7E;
	v18 =	vld [tilespmem:s29+$0x4AF0];
	[tilespmem:s25+$0x14A70] =	vst v10;
	v5 =	vadd.f32 v14, v5;
	v10 =	vmul.f32 v15, v4  }
0x10c: {  	v14 =	vld [tilespmem:s29+$0xA00];
	[tilespmem:s25+$0x14A80] =	vst v9;
	v6 =	vadd.f32 v13, v6;
	v9 =	vmul.f32 v16, v4  }
0x10d: {  	v13 =	vld [tilespmem:s29+$0x8AF0];
	[tilespmem:s25+$0x14A90] =	vst v5;
	v5 =	vadd.f32 v10, v7;
	v7 =	vmul.f32 v17, v4  }
0x10e: {  	v10 =	vld [tilespmem:s29+$0x4A00];
	[tilespmem:s25+$0x14AA0] =	vst v6;
	v6 =	vadd.f32 v9, v8;
	v8 =	vmul.f32 v20, v4  }
0x10f: {  	v9 =	vld [tilespmem:s29+$0xCAF0];
	[tilespmem:s25+$0x14AB0] =	vst v5;
	v5 =	vadd.f32 v7, v11  }
0x110: {  	v11 =	vmul.f32 v21, v0;
	v7 =	vld [tilespmem:s29+$0xA10];
	v15 =	vmul.f32 v18, v1;
	[tilespmem:s25+$0x14AC0] =	vst v6;
	v6 =	vadd.f32 v8, v12  }
0x111: {  	v8 =	vmul.f32 v14, v0;
	v12 =	vld [tilespmem:s29+$0x10AF0];
	[tilespmem:s25+$0x14AD0] =	vst v5  }
0x112: {  	v5 =	vld [tilespmem:s29+$0x4A10];
	v11 =	vadd.f32 v15, v11;
	v13 =	vmul.f32 v13, v2;
	[tilespmem:s25+$0x14AE0] =	vst v6;
	s25 =	smov.u32 s29  }
0x113: {  	v6 =	vmul.f32 v10, v1;
	v10 =	vld [tilespmem:s25+$0xA20]  }
0x114: {  	v14 =	vld [tilespmem:s25+$0x4A20];
	v11 =	vadd.f32 v13, v11;
	v9 =	vmul.f32 v9, v3  }
0x115: {  	v6 =	vadd.f32 v6, v8;
	v7 =	vmul.f32 v7, v0;
	v8 =	vld [tilespmem:s25+$0xA30]  }
0x116: {  	v13 =	vld [tilespmem:s25+$0x4A30];
	v9 =	vadd.f32 v9, v11;
	v11 =	vmul.f32 v12, v4  }
0x117: {  	v5 =	vmul.f32 v5, v1;
	v12 =	vld [tilespmem:s25+$0xA40]  }
0x118: {  	v10 =	vmul.f32 v10, v0;
	v15 =	vld [tilespmem:s25+$0x4A40];
	v9 =	vadd.f32 v11, v9  }
0x119: {  	v5 =	vadd.f32 v5, v7;
	v7 =	vmul.f32 v14, v1;
	v11 =	vld [tilespmem:s25+$0xA50]  }
0x11a: {  	v8 =	vmul.f32 v8, v0;
	v14 =	vld [tilespmem:s25+$0x4A50];
	[tilespmem:s25+$0x14AF0] =	vst v9  }
0x11b: {  	v7 =	vadd.f32 v7, v10;
	v9 =	vmul.f32 v13, v1;
	v10 =	vld [tilespmem:s25+$0xA60]  }
0x11c: {  	v12 =	vmul.f32 v12, v0;
	v13 =	vld [tilespmem:s25+$0x4A60]  }
0x11d: {  	v8 =	vadd.f32 v9, v8;
	v9 =	vmul.f32 v15, v1;
	v15 =	vld [tilespmem:s25+$0xA70]  }
0x11e: {  	v11 =	vmul.f32 v11, v0;
	v16 =	vld [tilespmem:s25+$0x4A70]  }
0x11f: {  	v9 =	vadd.f32 v9, v12;
	v12 =	vmul.f32 v14, v1;
	v14 =	vld [tilespmem:s25+$0xA80]  }
0x120: {  	v10 =	vmul.f32 v10, v0;
	v17 =	vld [tilespmem:s25+$0x4A80]  }
0x121: {  	v11 =	vadd.f32 v12, v11;
	v12 =	vmul.f32 v13, v1;
	v13 =	vld [tilespmem:s25+$0xA90]  }
0x122: {  	v15 =	vmul.f32 v15, v0;
	v18 =	vld [tilespmem:s25+$0x4A90]  }
0x123: {  	v10 =	vadd.f32 v12, v10;
	v12 =	vmul.f32 v16, v1;
	v16 =	vld [tilespmem:s25+$0xAA0]  }
0x124: {  	v14 =	vmul.f32 v14, v0;
	v19 =	vld [tilespmem:s25+$0x4AA0]  }
0x125: {  	v12 =	vadd.f32 v12, v15;
	v15 =	vmul.f32 v17, v1;
	v17 =	vld [tilespmem:s25+$0xAB0]  }
0x126: {  	v13 =	vmul.f32 v13, v0;
	v20 =	vld [tilespmem:s25+$0x4AB0]  }
0x127: {  	v14 =	vadd.f32 v15, v14;
	v15 =	vmul.f32 v18, v1;
	v18 =	vld [tilespmem:s25+$0xAC0]  }
0x128: {  	v16 =	vmul.f32 v16, v0;
	v21 =	vld [tilespmem:s25+$0x4AC0]  }
0x129: {  	v13 =	vadd.f32 v15, v13;
	v15 =	vmul.f32 v19, v1;
	v19 =	vld [tilespmem:s25+$0xAD0]  }
0x12a: {  	v17 =	vmul.f32 v17, v0;
	v22 =	vld [tilespmem:s25+$0x4AD0]  }
0x12b: {  	v15 =	vadd.f32 v15, v16;
	v16 =	vmul.f32 v20, v1;
	v20 =	vld [tilespmem:s25+$0xAE0]  }
0x12c: {  	v18 =	vmul.f32 v18, v0;
	v23 =	vld [tilespmem:s25+$0x4AE0]  }
0x12d: {  	v24 =	vld [tilespmem:s25+$0x8A00];
	v16 =	vadd.f32 v16, v17;
	v17 =	vmul.f32 v21, v1  }
0x12e: {  	v21 =	vld [tilespmem:s25+$0x8A10];
	v19 =	vmul.f32 v19, v0  }
0x12f: {  	v25 =	vld [tilespmem:s25+$0x8A20];
	v17 =	vadd.f32 v17, v18;
	v18 =	vmul.f32 v22, v1  }
0x130: {  	v22 =	vld [tilespmem:s25+$0x8A30];
	v20 =	vmul.f32 v20, v0  }
0x131: {  	v26 =	vld [tilespmem:s25+$0x8A40];
	v18 =	vadd.f32 v18, v19;
	v19 =	vmul.f32 v23, v1  }
0x132: {  	v23 =	vmul.f32 v24, v2;
	v24 =	vld [tilespmem:s25+$0x8A50]  }
0x133: {  	v21 =	vmul.f32 v21, v2;
	v27 =	vld [tilespmem:s25+$0x8A60];
	v19 =	vadd.f32 v19, v20  }
0x134: {  	v6 =	vadd.f32 v23, v6;
	v20 =	vmul.f32 v25, v2;
	v23 =	vld [tilespmem:s25+$0x8A70]  }
0x135: {  	v5 =	vadd.f32 v21, v5;
	v21 =	vmul.f32 v22, v2;
	v22 =	vld [tilespmem:s25+$0x8A80]  }
0x136: {  	v7 =	vadd.f32 v20, v7;
	v20 =	vmul.f32 v26, v2;
	v25 =	vld [tilespmem:s25+$0x8A90]  }
0x137: {  	v8 =	vadd.f32 v21, v8;
	v21 =	vmul.f32 v24, v2;
	v24 =	vld [tilespmem:s25+$0x8AA0]  }
0x138: {  	v9 =	vadd.f32 v20, v9;
	v20 =	vmul.f32 v27, v2;
	v26 =	vld [tilespmem:s25+$0x8AB0]  }
0x139: {  	v11 =	vadd.f32 v21, v11;
	v21 =	vmul.f32 v23, v2;
	v23 =	vld [tilespmem:s25+$0x8AC0]  }
0x13a: {  	v10 =	vadd.f32 v20, v10;
	v20 =	vmul.f32 v22, v2;
	v22 =	vld [tilespmem:s25+$0x8AD0]  }
0x13b: {  	v12 =	vadd.f32 v21, v12;
	v21 =	vmul.f32 v25, v2;
	v25 =	vld [tilespmem:s25+$0x8AE0]  }
0x13c: {  	v27 =	vld [tilespmem:s25+$0xCA00];
	v14 =	vadd.f32 v20, v14;
	v20 =	vmul.f32 v24, v2  }
0x13d: {  	v24 =	vld [tilespmem:s25+$0xCA10];
	v13 =	vadd.f32 v21, v13;
	v21 =	vmul.f32 v26, v2  }
0x13e: {  	v26 =	vld [tilespmem:s25+$0xCA20];
	v15 =	vadd.f32 v20, v15;
	v20 =	vmul.f32 v23, v2  }
0x13f: {  	v23 =	vld [tilespmem:s25+$0xCA30];
	v16 =	vadd.f32 v21, v16;
	v21 =	vmul.f32 v22, v2  }
0x140: {  	v22 =	vld [tilespmem:s25+$0xCA40];
	v17 =	vadd.f32 v20, v17;
	v20 =	vmul.f32 v25, v2  }
0x141: {  	v25 =	vmul.f32 v27, v3;
	v27 =	vld [tilespmem:s25+$0xCA50];
	v18 =	vadd.f32 v21, v18  }
0x142: {  	v21 =	vmul.f32 v24, v3;
	v24 =	vld [tilespmem:s25+$0xCA60];
	v19 =	vadd.f32 v20, v19  }
0x143: {  	v20 =	vadd.f32 v25, v6;
	v6 =	vmul.f32 v26, v3;
	v25 =	vld [tilespmem:s25+$0xCA70]  }
0x144: {  	v21 =	vadd.f32 v21, v5;
	v5 =	vmul.f32 v23, v3;
	v23 =	vld [tilespmem:s25+$0xCA80]  }
0x145: {  	v26 =	vadd.f32 v6, v7;
	v6 =	vmul.f32 v22, v3;
	v7 =	vld [tilespmem:s25+$0xCA90]  }
0x146: {  	v22 =	vadd.f32 v5, v8;
	v5 =	vmul.f32 v27, v3;
	v8 =	vld [tilespmem:s25+$0xCAA0]  }
0x147: {  	v27 =	vadd.f32 v6, v9;
	v6 =	vmul.f32 v24, v3;
	v24 =	vld [tilespmem:s25+$0xCAB0]  }
0x148: {  	v28 =	vadd.f32 v5, v11;
	v5 =	vmul.f32 v25, v3;
	v11 =	vld [tilespmem:s25+$0xCAC0]  }
0x149: {  	v25 =	vadd.f32 v6, v10;
	v6 =	vmul.f32 v23, v3;
	v23 =	vld [tilespmem:s25+$0xCAD0]  }
0x14a: {  	v10 =	vadd.f32 v5, v12;
	v5 =	vmul.f32 v7, v3;
	v12 =	vld [tilespmem:s25+$0xCAE0]  }
0x14b: {  	v29 =	vld [tilespmem:s25+$0x10A00];
	v9 =	vadd.f32 v6, v14;
	v6 =	vmul.f32 v8, v3  }
0x14c: {  	v14 =	vld [tilespmem:s25+$0x10A10];
	v5 =	vadd.f32 v5, v13;
	v7 =	vmul.f32 v24, v3  }
0x14d: {  	v13 =	vld [tilespmem:s25+$0x10A20];
	v6 =	vadd.f32 v6, v15;
	v8 =	vmul.f32 v11, v3  }
0x14e: {  	v15 =	vld [tilespmem:s25+$0x10A30];
	v7 =	vadd.f32 v7, v16;
	v11 =	vmul.f32 v23, v3  }
0x14f: {  	v16 =	vld [tilespmem:s25+$0x10A40];
	v8 =	vadd.f32 v8, v17;
	v12 =	vmul.f32 v12, v3  }
0x150: {  	v17 =	vmul.f32 v29, v4;
	v23 =	vld [tilespmem:s25+$0x10A50];
	v11 =	vadd.f32 v11, v18  }
0x151: {  	v14 =	vmul.f32 v14, v4;
	v18 =	vld [tilespmem:s25+$0x10A60];
	v12 =	vadd.f32 v12, v19  }
0x152: {  	v17 =	vadd.f32 v17, v20;
	v13 =	vmul.f32 v13, v4;
	v19 =	vld [tilespmem:s25+$0x10A70]  }
0x153: {  	v20 =	vadd.f32 v14, v21;
	v15 =	vmul.f32 v15, v4;
	v24 =	vld [tilespmem:s25+$0x10A80]  }
.Ltmp0:
0x154: {  	[tilespmem:s25+$0x14A00] =	vst v17;
	v17 =	vadd.f32 v13, v26;
	v16 =	vmul.f32 v16, v4;
	v14 =	vld [tilespmem:s25+$0x10A90];
	(pc) =	sbr.rel @p0 .LBB2_3-.Ltmp0, $4  }
0x155: {  	[tilespmem:s25+$0x14A10] =	vst v20;
	v20 =	vadd.f32 v15, v22;
	v21 =	vmul.f32 v23, v4;
	v13 =	vld [tilespmem:s25+$0x10AA0]  }
0x156: {  	[tilespmem:s25+$0x14A20] =	vst v17;
	v17 =	vadd.f32 v16, v27;
	v18 =	vmul.f32 v18, v4;
	v15 =	vld [tilespmem:s25+$0x10AB0]  }
0x157: {  	[tilespmem:s25+$0x14A30] =	vst v20;
	v20 =	vadd.f32 v21, v28;
	v21 =	vmul.f32 v19, v4;
	v16 =	vld [tilespmem:s25+$0x10AC0]  }
0x158: {  	s28 =	sadd.s32 $0x400, s28;
	[tilespmem:s25+$0x14A40] =	vst v17;
	v18 =	vadd.f32 v18, v25;
	v19 =	vmul.f32 v24, v4;
	v17 =	vld [tilespmem:s25+$0x10AD0]  }
0x159: {  	[tilespmem:s25+$0x14A50] =	vst v20;
	v10 =	vadd.f32 v21, v10;
	v14 =	vmul.f32 v14, v4;
	v60 =	vld [tilespmem:s25+$0x10AE0]  }
0x15a: {  	[tilespmem:s25+$0x14A60] =	vst v18;
	v9 =	vadd.f32 v19, v9;
	v13 =	vmul.f32 v13, v4  }
0x15b: {  	[tilespmem:s25+$0x14A70] =	vst v10;
	v5 =	vadd.f32 v14, v5;
	v61 =	vmul.f32 v15, v4  }
0x15c: {  	[tilespmem:s25+$0x14A80] =	vst v9;
	v6 =	vadd.f32 v13, v6;
	v62 =	vmul.f32 v16, v4  }
0x15d: {  	[tilespmem:s25+$0x14A90] =	vst v5;
	v5 =	vadd.f32 v61, v7;
	v7 =	vmul.f32 v17, v4  }
0x15e: {  	[tilespmem:s25+$0x14AA0] =	vst v6;
	v6 =	vadd.f32 v62, v8;
	v63 =	vmul.f32 v60, v4  }
0x15f: {  	[tilespmem:s25+$0x14AB0] =	vst v5;
	v5 =	vadd.f32 v7, v11  }
0x160: {  	s23 =	sadd.s32 $0x1, s23;
	[tilespmem:s25+$0x14AC0] =	vst v6;
	v6 =	vadd.f32 v63, v12  }
0x161: {  	s24 =	sshll.u32 s24, $0x2;
	p0 =	sne.s32 s23, $0x32;
	[tilespmem:s25+$0x14AD0] =	vst v5  }
.Ltmp1:
0x162: {  	s24 =	sadd.s32 s1, s24;
	[tilespmem:s25+$0x14AE0] =	vst v6;
	(pc) =	sbr.rel @p0 .LBB2_2-.Ltmp1, $4  }
0x163: {  	[hbm4b:s24+s3] =	stream.linear.scatter [tilespmem:s21], [sflag:$0x2], $0x4000, $0x38;
	[tilespmem:$0x18A50] =	vst v63  }
0x164: {  	_ =	swait.ge [sflag:s10], $0x4000  }
0x165: {  	[sflag:s10] =	ssyncset.done $0x0  }
0x166: {  	[sflag:s10] =	ssyncadd.s32 $0xFFFFC000  }
0x167: {  	s22 =	sadd.s32 $0x1, s22  }
0x168: {  	p0 =	sne.s32 s22, s8  }
.Ltmp2:
0x169: {  	_ = 	snop;
	(pc) =	sbr.rel @p0 .LBB2_1-.Ltmp2, $1  }
0x16a: {  	_ =	sdelay $0x3  }
0x16b: {  	_ =	sfence.sel $0x180000  }
0x16c: {  	[bflag:$0x0] =	sbarrier.arrive $0xFFFF  }
0x16d: {  	p0 =	sne.s32 s2, $0x0;
	_ =	strace $0x90000047  }
0x16e: {  	s0 =	sadd.s32 @!p0 $0x100000, s0;
	[bflag:$0x2] =	sbarrier.arrive $0xFFFF  }
0x16f: {  	[sflag:s0] =	ssyncadd.tile.s32 @!p0 $0x1;
	_ =	shalt  }
.Lfunc_end2:
_tile_overlayer_lowered:
.L_overlay_start_2:
0x170: {  	(tag) =	ssettag $0x2  }
0x171: {  	s0 =	rddreg [dreg:$0x0];
	s2 =	stileid.u32  }
0x172: {  	s1 =	rddreg [dreg:$0x1];
	p0 =	sne.s32 s2, $0x0  }
0x173: {  	s3 =	rddreg [dreg:$0x2];
	[bflag:$0x3] =	sbarrier.arrive $0xFFFF;
	s2 =	simm.s32 @!p0 $0x1C02  }
0x174: {  	[timem:s3], [sflag:s2] =	dma.local @!p0 [hbm:s0], s1  }
0x175: {  	s0 =	simm.s32 @!p0 $0x2  }
0x176: {  	_ =	swait.ge @!p0 [sflag:s0], s1  }
0x177: {  	s1 =	ssub.s32 @!p0 $0x0, s1;
	[sflag:s0] =	ssyncset.done @!p0 $0x0  }
0x178: {  	[sflag:s0] =	ssyncadd.s32 @!p0 s1  }
0x179: {  	[bflag:$0x3] =	sbarrier.arrive $0xFFFF  }
0x17a: {  	_ =	shalt  }

// kernel: sparse-core-data-format-call.cloned.1.call-start
scs
called_computation_lowered:
.L_overlay_start_0:
0x0: {  	s2 =	sld [smem:$0x3FD9]  }
0x1: {  	s3 =	sld [smem:$0x3FFE];
	_ =	sdelay $0x1  }
0x2: {  	s1 =	srdreg.scid  }
0x3: {  	s0 =	sand.u32 $0x1, s1  }
0x4: {  	s18 =	sshll.u32 s0, $0xA;
	s2 =	sadd.s32 s3, s2  }
0x5: {  	s2 =	sadd.s32 s2, s18  }
0x6: {  	[smem:$0x3FC5] =	sst s2  }
0x7: {  	_ = 	snop  }
0x8: {  	s2 =	sld [smem:$0x3FD0];
	(tm) =	ssettm $0x1  }
0x9: {  	s19 =	sld [smem:$0x3FFB];
	_ =	sdelay $0x3  }
0xa: {  	_ =	strace s19  }
0xb: {  	s3 =	sld [smem:$0x3FFC];
	_ =	sdelay $0x3  }
0xc: {  	_ =	strace s3  }
0xd: {  	s3 =	sld [smem:$0x3FFD];
	_ =	sdelay $0x3  }
0xe: {  	_ =	strace s3  }
0xf: {  	_ =	strace $0x8FFFFFFF  }
0x10: {  	s20 =	sld [smem:$0x3FDB];
	_ =	sdelay $0x1  }
0x11: {  	s4 =	simm.s32 $_scs_section_size  }
0x12: {  	s5 =	simm.s32 $_size__tile_overlayer_lowered;
	s6 =	simm.s32 $_tile_overlayer_lowered  }
0x13: {  	s23 =	simm.s32 $0x1BFF;
	s22 =	sshll.u32 s6, $0x1;
	s3 =	sadd.s32 s4, s20  }
0x14: {  	s7 =	simm.s32 $0x0;
	s21 =	sshll.u32 s5, $0x1;
	s5 =	sadd.s32 s22, s3  }
0x15: {  	[timem:s7], [sflag:s23] =	dma.local [hbm:s5], s21  }
0x16: {  	_ =	swait.ge [sflag:s23], s21  }
0x17: {  	s4 =	ssub.s32 $0x0, s21;
	[sflag:s23] =	ssyncset.done $0x0  }
0x18: {  	[sflag:s23] =	ssyncadd.s32 s4;
	_ =	sdelay $0x1  }
0x19: {  	s24 =	simm.s32 $0x1B8B  }
0x1a: {  	_ =	swait.ge [sflag:s24], $0x1  }
0x1b: {  	[sflag:s24] =	ssyncset.done $0x0  }
0x1c: {  	s26 =	simm.s32 $0x1B8E;
	s25 =	sld [smem:$0x3FFE];
	[sflag:s24] =	ssyncadd.s32 $0xFFFFFFFF  }
0x1d: {  	s27 =	simm.s32 $execute0_lowered;
	[smem:$0x3FD2] =	sst s26  }
0x1e: {  	s5 =	sshll.u32 s27, $0x1;
	_ =	strace $0x80000049;
	[dreg:$0x1] =	wrdreg $0xFFFFFFFF  }
0x1f: {  	s28 =	simm.s32 $_size_execute0_lowered;
	s3 =	sadd.s32 s3, s5;
	[dreg:$0x0] =	wrdreg $0x0  }
0x20: {  	s5 =	sshll.u32 s28, $0x1;
	[dreg:$0x2] =	wrdreg s3  }
0x21: {  	[dreg:$0x3] =	wrdreg s5  }
0x22: {  	[dreg:$0x4] =	wrdreg $0xC0  }
0x23: {  	_ =	task [dreg:s7], $0x5FFFF  }
0x24: {  	[dreg:$0x1] =	wrdreg $0xFFFFFFFF  }
0x25: {  	[dreg:$0x0] =	wrdreg $0x60  }
0x26: {  	[dreg:$0x2] =	wrdreg s25  }
0x27: {  	[dreg:$0x3] =	wrdreg s2  }
0x28: {  	[dreg:$0x4] =	wrdreg $0x9  }
0x29: {  	_ =	task.clear_ibuf [dreg:s7], $0x5FFFF;
	_ =	strace $0x90000049  }
0x2a: {  	s29 =	simm.s32 $0x9;
	_ =	strace $0x8000004B  }
0x2b: {  	_ =	swait.ge [sflag:s29], $0x1  }
0x2c: {  	[sflag:s29] =	ssyncadd.s32 $0xFFFFFFFF  }
0x2d: {  	_ =	strace $0x9000004B  }
0x2e: {  	_ =	sfence  }
0x2f: {  	s30 =	sld [smem:$0x0];
	_ =	sdelay $0x2  }
0x30: {  	s31 =	sshll.u32 s1, $0xD;
	s1 =	sshrl.u32 s1, $0x2  }
0x31: {  	s3 =	sand.u32 $0x4000, s31;
	s1 =	sadd.s32 s1, s30  }
0x32: {  	s0 =	sor.u32 s3, s0;
	s1 =	sshll.u32 s1, $0x11  }
0x33: {  	s0 =	sor.u32 s1, s0  }
0x34: {  	s0 =	sadd.s32 $0x8F2B, s0  }
0x35: {  	[sflag:s0] =	ssyncadd.remote.s32 $0x1  }
0x36: {  	_ =	sfence.sel $0xFFFF  }
0x37: {  	[dreg:$0x0] =	wrdreg $0xFFFFFFFF;
	(pc) =	sbr.abs _section_cstart, $3  }
0x38: {  	[dreg:$0x1] =	wrdreg $0xFFFFFFFF  }
0x39: {  	_ =	task.clear_ibuf [dreg:s7], $0x2FFFF;
	_ =	strace $0x9FFFFFFF  }
0x3a: {  	(tm) =	ssettm $0x7FFFFFFF  }
0x3b: {  	_ =	shalt  }
tec
execute0_lowered:
.L_overlay_start_1:
0x0: {  	(tag) =	ssettag $0x1  }
0x1: {  	s0 =	srdreg.scid  }
0x2: {  	s1 =	sshll.u32 s0, $0x4  }
0x3: {  	s0 =	stileid.u32;
	s1 =	sand.u32 $0x10, s1  }
0x4: {  	s1 =	sor.u32 s0, s1  }
0x5: {  	s6 =	rddreg [dreg:$0x0];
	s4 =	simm.s32 $0x1;
	s2 =	sshll.u32 s1, $0x7  }
0x6: {  	s7 =	simm.s32 $0x2;
	s12 =	simm.s32 $0x0;
	s1 =	ssub.s32 $0x4000, s2  }
0x7: {  	s8 =	simm.s32 $0x20000;
	s13 =	simm.s32 $0x0;
	s3 =	sand.u32 $0xF80, s1  }
0x8: {  	s9 =	simm.s32 $0x0;
	s5 =	sshrl.u32 s1, $0xC;
	p0 =	sne.s32 s3, $0x0  }
.Ltmp0:
0x9: {  	s1 =	rddreg [dreg:$0x2];
	s4 =	simm.s32 @!p0 $0x0;
	(pc) =	sbr.rel .LBB1_1-.Ltmp0, $4  }
0xa: {  	s11 =	simm.s32 $0x0;
	s3 =	rddreg [dreg:$0x1];
	s5 =	sadd.s32 s4, s5  }
0xb: {  	_ =	strace $0x8000004A;
	s4 =	simm.s32 $0x1;
	s5 =	smul.u32 $0x32, s5  }
0xc: {  	s6 =	sadd.s32 $0xC00, s6;
	s10 =	smov.u32 s2;
	[sflag:s4] =	ssyncpa.u1 $0x0  }
0xd: {  	p0 =	por $0x0, $0x0;
	[sflag:s7] =	ssyncpa.u1 $0x0;
	s7 =	sor.u32 $0x1, s5  }
.LBB1_4:
0xe: {  	s16 =	sshll.u32 s13, $0x3;
	s17 =	sand.u32 $0x78, s13  }
0xf: {  	s30 =	sand.u32 $0xF800, s13;
	s12 =	sshll.u32 s12, $0x10;
	s16 =	sand.u32 $0x3C00, s16  }
0x10: {  	s31 =	sand.u32 $0x7, s13;
	s16 =	sor.u32 s17, s16;
	s17 =	sadd.s32 s3, s30  }
0x11: {  	s13 =	sshll.u32 s31, $0x12;
	s16 =	sshrl.u32 s16, $0x3;
	s12 =	sadd.s32 s12, s17  }
0x12: {  	[tilespmem:s15+$0x0 ss:$0x81] =	vst.msk $0xffff, v0;
	s13 =	sor.u32 $0x400, s13;
	s12 =	sadd.s32 s16, s12  }
0x13: {  	[hbm4b:s12+s13] =	stream.strided.scatter [tilespmem:s14], [sflag:$0x2], $0x1000, s8, s13, $0x20;
	[tilespmem:$0x4040] =	vst v63  }
.LBB1_5:
0x14: {  	s14 =	sadd.s32 $0x1, s9  }
0x15: {  	s12 =	sadd.s32 $0x1000, s10;
	s16 =	smov.u32 s10;
	p2 =	sgt.s32 s14, $0x31  }
0x16: {  	s16 =	smov.u32 @p2 s12  }
0x17: {  	s14 =	simm.s32 @p2 $0x0;
	p2 =	sgt.s32 s16, $0x3FFF  }
0x18: {  	s16 =	smov.u32 @p2 s2;
	p2 =	sne.s32 s11, s7  }
.Ltmp1:
0x19: {  	p1 =	slt.u32 s11, $0x2;
	(pc) =	sbr.rel @!p2 .LBB1_6-.Ltmp1, $4  }
0x1a: {  	s15 =	simm.s32 @!p1 $0x2  }
0x1b: {  	s13 =	smov.u32 s10;
	p0 =	por !p0, !p0;
	_ =	swait.ge @!p1 [sflag:s15], $0x1000  }
0x1c: {  	s12 =	smov.u32 s9;
	[sflag:s15] =	ssyncset.done @!p1 $0x0;
	s9 =	smov.u32 s14  }
0x1d: {  	s11 =	sadd.s32 $0x1, s11;
	[sflag:s15] =	ssyncadd.s32 @!p1 $0xFFFFF000;
	s10 =	smov.u32 s16  }
.LBB1_1:
0x1e: {  	p1 =	sge.u32 s11, s5  }
0x1f: {  	s14 =	sand.u32 @!p1 $0x1FFFFFF, s9  }
0x20: {  	s15 =	smulhi.u32 @!p1 $0x4924925, s14;
	_ =	sdelay $0x1  }
0x21: {  	s15 =	smul.u32 @!p1 $0x38, s15  }
0x22: {  	s16 =	sxor.u32 @!p1 $0xFFFFFFFF, s11;
	s17 =	smul.u32 @!p1 $0x380, s10  }
0x23: {  	s31 =	sadd.s32 $0xFFFFFFFF, s11;
	s16 =	sshll.u32 @!p1 s16, $0xC;
	s14 =	ssub.s32 @!p1 s14, s15  }
0x24: {  	s15 =	sand.u32 @!p1 $0x1000, s16;
	s16 =	sadd.s32 @!p1 s6, s17;
	s14 =	sshll.u32 @!p1 s14, $0x4  }
0x25: {  	s17 =	simm.s32 @!p1 $0x1C00;
	s14 =	sadd.s32 @!p1 s14, s16;
	s16 =	simm.s32 @!p1 $0x20  }
0x26: {  	[tilespmem:s15], [sflag:$0x1] =	stream.strided.gather @!p1 [hbm4b:s14+s16], $0x1000, s17, s16, $0x38;
	[tilespmem:$0x4040] =	vst v63  }
0x27: {  	p1 =	sge.u32 s31, s5  }
.Ltmp2:
0x28: {  	_ = 	snop;
	(pc) =	sbr.rel @p1 .LBB1_5-.Ltmp2, $1  }
0x29: {  	_ =	sdelay $0x3  }
0x2a: {  	s14 =	simm.s32 $0x1  }
0x2b: {  	_ =	swait.ge [sflag:s4], $0x1000;
	s14 =	simm.s32 @!p0 $0x0  }
0x2c: {  	[sflag:s4] =	ssyncset.done $0x0;
	s15 =	sshll.u32 s14, $0xC  }
0x2d: {  	[sflag:s4] =	ssyncadd.s32 $0xFFFFF000;
	s18 =	sor.u32 $0x10, s15  }
0x2e: {  	s14 =	smul.u32 $0x4080, s14;
	v1 =	vld [tilespmem:s18+$0x0]  }
0x2f: {  	s30 =	sand.u32 $0x1, s11;
	v0 =	vld [tilespmem:s18+$0xFFFFFFF0]  }
0x30: {  	s15 =	smul.u32 $0x4080, s30;
	s14 =	sshrl.u32 s14, $0x2  }
0x31: {  	s16 =	sor.u32 $0x2000, s14  }
0x32: {  	s31 =	sshrl.u32 s15, $0x2;
	s15 =	sadd.s32 $0x0, s16  }
0x33: {  	s17 =	simm.s32 $0x4;
	s18 =	sadd.s32 $0x20, s18;
	s14 =	sor.u32 $0x2000, s31;
	[tilespmem:s15+$0x810 ss:$0x81] =	vst.msk $0xffff, v1  }
.LBB1_3:
0x34: {  	v1 =	vld [tilespmem:s18+$0x0];
	p1 =	sne.s32 s17, $0x1FC;
	[tilespmem:s15+$0x0 ss:$0x81] =	vst.msk $0xffff, v0;
	s15 =	smov.u32 s17;
	s17 =	sadd.s32 $0x4, s17  }
.Ltmp3:
0x35: {  	v0 =	vld [tilespmem:s18+$0xFFFFFFF0];
	(pc) =	sbr.rel @p1 .LBB1_3-.Ltmp3, $4  }
0x36: {  	_ = 	snop  }
0x37: {  	s15 =	sshra.s32 s15, $0x2  }
0x38: {  	s15 =	sadd.s32 s15, s16  }
0x39: {  	s18 =	sadd.s32 $0x20, s18;
	[tilespmem:s15+$0x810 ss:$0x81] =	vst.msk $0xffff, v1  }
.Ltmp4:
0x3a: {  	_ = 	snop;
	(pc) =	sbr.rel .LBB1_4-.Ltmp4, $1  }
0x3b: {  	_ =	sdelay $0x3  }
.LBB1_6:
0x3c: {  	_ =	sfence.sel $0x180000  }
0x3d: {  	s2 =	simm.s32 $0x1;
	[bflag:$0x0] =	sbarrier.arrive $0xFFFF  }
0x3e: {  	s31 =	simm.s32 $0x2;
	[sflag:s2] =	ssyncpa.u1 $0x1  }
0x3f: {  	[sflag:s31] =	ssyncpa.u1 $0x1  }
0x40: {  	p0 =	sne.s32 s0, $0x0;
	_ =	strace $0x9000004A  }
0x41: {  	s0 =	sadd.s32 @!p0 $0x100000, s1;
	[bflag:$0x2] =	sbarrier.arrive $0xFFFF  }
0x42: {  	[sflag:s0] =	ssyncadd.tile.s32 @!p0 $0x1;
	_ =	shalt  }
.Lfunc_end1:
_tile_overlayer_lowered:
.L_overlay_start_2:
0x43: {  	(tag) =	ssettag $0x2  }
0x44: {  	s0 =	rddreg [dreg:$0x0];
	s2 =	stileid.u32  }
0x45: {  	s1 =	rddreg [dreg:$0x1];
	p0 =	sne.s32 s2, $0x0  }
0x46: {  	s3 =	rddreg [dreg:$0x2];
	[bflag:$0x3] =	sbarrier.arrive $0xFFFF;
	s2 =	simm.s32 @!p0 $0x1C01  }
0x47: {  	[timem:s3], [sflag:s2] =	dma.local @!p0 [hbm:s0], s1  }
0x48: {  	s0 =	simm.s32 @!p0 $0x1  }
0x49: {  	_ =	swait.ge @!p0 [sflag:s0], s1  }
0x4a: {  	s1 =	ssub.s32 @!p0 $0x0, s1;
	[sflag:s0] =	ssyncset.done @!p0 $0x0  }
0x4b: {  	[sflag:s0] =	ssyncadd.s32 @!p0 s1  }
0x4c: {  	[bflag:$0x3] =	sbarrier.arrive $0xFFFF  }
0x4d: {  	_ =	shalt  }

</sc_bundles>
